<compile_context>
chip_gen: v7x
topology: tpu7x:2x2x1
jax: 0.10.2.dev20260603
libtpu: 0.0.44.dev20260713+nightly
codegen_flags: <defaults>
</compile_context>

<pallas_src>
import functools

import jax
import jax.numpy as jnp
from jax import lax
from jax.experimental import pallas as pl
from jax.experimental.pallas import tpu as pltpu
from jax.experimental.pallas import tpu_sc as plsc

NUM_EMB = 1000000
B = 16384
H = 50
E = 32
OUT = 128

TRC = 16384
Q = TRC // 4
NBLK = (NUM_EMB + TRC - 1) // TRC
TBL_ROWS = NBLK * Q

NC = 2
NS = 16
NW = NC * NS
BAGS_PER_W = B // NW
CB = 16
NCHUNK = BAGS_PER_W // CB
GL = 100
NG = CB * H // GL


def _tr_body(t_ref, o_ref):
    i = lax.broadcasted_iota(jnp.int32, (128, 128), 0)
    j = lax.broadcasted_iota(jnp.int32, (128, 128), 1)
    ident = jnp.where(i == j, 1.0, 0.0).astype(jnp.float32)
    u = jnp.concatenate([t_ref[:, k * Q:(k + 1) * Q] for k in range(4)],
                        axis=0)
    o_ref[...] = lax.dot_general(
        u, ident,
        (((0,), (0,)), ((), ())),
        preferred_element_type=jnp.float32,
    )


def _format_table(table):
    return pl.pallas_call(
        _tr_body,
        grid=(NBLK,),
        in_specs=[pl.BlockSpec((E, TRC), lambda i: (0, i))],
        out_specs=pl.BlockSpec((Q, 128), lambda i: (i, 0)),
        out_shape=jax.ShapeDtypeStruct((TBL_ROWS, 128), jnp.float32),
    )(table.T)


def _pool_body(idx_hbm, table_hbm, out_hbm,
               idx_v, rows_v, acc_v, sem0, sem1):
    wid = lax.axis_index("s") * NC + lax.axis_index("c")
    base_bag = wid * BAGS_PER_W
    table_rows = table_hbm

    sems = (sem0, sem1)

    def start_gather(b, gg):
        pltpu.sync_copy(
            idx_hbm.at[pl.ds(pl.multiple_of((base_bag + gg * CB) * H // GL, 8),
                             NG), :],
            idx_v.at[b])
        for j in range(NG):
            pltpu.async_copy(table_rows.at[idx_v.at[b, j]],
                             rows_v.at[b, pl.ds(j * GL, GL), :], sems[b])

    def wait_gather(b):
        for j in range(NG):
            pltpu.make_async_copy(table_rows.at[idx_v.at[b, j]],
                                  rows_v.at[b, pl.ds(j * GL, GL), :],
                                  sems[b]).wait()

    def reduce_chunk(b, gg):
        def bag(i, carry):
            base = i * H

            def elem(l, accs):
                a0, a1 = accs
                a0 = a0 + rows_v[b, base + l, 0:16]
                a1 = a1 + rows_v[b, base + l, 16:32]
                return a0, a1

            z = jnp.zeros((16,), jnp.float32)
            a0, a1 = lax.fori_loop(0, H, elem, (z, z))
            acc_v[i, 0:16] = a0
            acc_v[i, 16:32] = a1
            return carry

        lax.fori_loop(0, CB, bag, 0)
        pltpu.sync_copy(acc_v,
                        out_hbm.at[pl.ds(base_bag + gg * CB, CB), :])

    start_gather(0, 0)

    def outer(g2, carry):
        for b in range(2):
            gg = g2 * 2 + b

            @pl.when(gg + 1 < NCHUNK)
            def _():
                start_gather(1 - b, gg + 1)

            wait_gather(b)
            reduce_chunk(b, gg)
        return carry

    lax.fori_loop(0, NCHUNK // 2, outer, 0)


_mesh = plsc.VectorSubcoreMesh(core_axis_name="c", subcore_axis_name="s")

_pool = functools.partial(
    pl.kernel,
    out_type=jax.ShapeDtypeStruct((B, E), jnp.float32),
    mesh=_mesh,
    compiler_params=pltpu.CompilerParams(use_tc_tiling_on_sc=False),
    scratch_types=[
        pltpu.VMEM((2, NG, GL), jnp.int32),
        pltpu.VMEM((2, CB * H, E), jnp.float32),
        pltpu.VMEM((CB, E), jnp.float32),
        pltpu.SemaphoreType.DMA,
        pltpu.SemaphoreType.DMA,
    ],
)(_pool_body)


def _matmul_body(p_ref, w_ref, o_ref):
    o_ref[...] = lax.dot_general(
        p_ref[...], w_ref[...],
        (((1,), (1,)), ((), ())),
        preferred_element_type=jnp.float32,
    )


TB = 1024


def _project(pooled, W):
    return pl.pallas_call(
        _matmul_body,
        grid=(B // TB,),
        in_specs=[
            pl.BlockSpec((TB, E), lambda i: (i, 0)),
            pl.BlockSpec((OUT, E), lambda i: (0, 0)),
        ],
        out_specs=pl.BlockSpec((TB, OUT), lambda i: (i, 0)),
        out_shape=jax.ShapeDtypeStruct((B, OUT), jnp.float32),
    )(pooled, W)


@jax.jit
def kernel(input, table, W):
    idx = input.astype(jnp.int32)
    blk = idx // TRC
    rem = idx % TRC
    quarter = rem // Q
    permuted = (blk * Q + rem % Q) * 4 + quarter
    pooled = _pool(permuted.reshape(B * H // GL, GL),
                   _format_table(table).reshape(TBL_ROWS * 4, E))
    return _project(pooled, W)

# --- scband reference (transcript-rebuilt; emitter-appended) ---
"""Pipeline reference for scband-embedding-linear-12610023981500 (READ-ONLY COPY).

The authoritative reference and input builder live on the scoring server;
editing this copy changes nothing except your own understanding.
"""

import jax, jax.numpy as jnp
import numpy as np

NUM_EMB = 1000000
EMB_DIM = 32
BASE_DIM = 128
BATCH = 16384
HIST = 50

def setup_inputs(seed: int = 0) -> dict:
    key = jax.random.key(seed)
    k1, k2, k3 = jax.random.split(key, 3)
    indices = jax.random.randint(k1, (BATCH, HIST), 0, NUM_EMB, dtype=jnp.int64) if jax.config.read('jax_enable_x64') else jax.random.randint(k1, (BATCH, HIST), 0, NUM_EMB, dtype=jnp.int32)
    # Xavier uniform init for embedding table [NUM_EMB, EMB_DIM]
    lim_e = float(np.sqrt(6.0 / (NUM_EMB + EMB_DIM)))
    table = jax.random.uniform(k2, (NUM_EMB, EMB_DIM), dtype=jnp.float32, minval=-lim_e, maxval=lim_e)
    # Xavier uniform init for Linear weight [BASE_DIM, EMB_DIM] (torch convention: out, in)
    lim_w = float(np.sqrt(6.0 / (EMB_DIM + BASE_DIM)))
    W = jax.random.uniform(k3, (BASE_DIM, EMB_DIM), dtype=jnp.float32, minval=-lim_w, maxval=lim_w)
    return {"input": indices, "table": table, "W": W}

def reference(input, table, W):
    # EmbeddingBag mode='sum' with 2D input: gather then sum over bag dim
    gathered = jnp.take(table, input, axis=0)          # [B, L, EMB_DIM]
    pooled = jnp.sum(gathered, axis=1)                 # [B, EMB_DIM]
    # nn.Linear(emb_dim, base_dim, bias=False): y = x @ W.T
    out = pooled @ W.T                                 # [B, BASE_DIM]
    return out

if __name__ == "__main__":
    import jax
    _d = setup_inputs()
    print(jax.jit(kernel)(*tuple(_d.values())))

</pallas_src>

<mosaic_0001>
#map = affine_map<(d0, d1) -> (0, 0)>
module attributes {stable_mosaic.version = 14 : i64} {
  func.func @_pool_body(%arg0: i32, %arg1: i32, %arg2: memref<8192x100xi32, #tpu.memory_space<hbm>>, %arg3: memref<1015808x32xf32, #tpu.memory_space<hbm>>, %arg4: memref<16384x32xf32, #tpu.memory_space<hbm>>, %arg5: memref<2x8x100xi32, #tpu.memory_space<vmem>>, %arg6: memref<2x800x32xf32, #tpu.memory_space<vmem>>, %arg7: memref<16x32xf32, #tpu.memory_space<vmem>>, %arg8: memref<!tpu.dma_semaphore, #tpu.memory_space<semaphore_mem>>, %arg9: memref<!tpu.dma_semaphore, #tpu.memory_space<semaphore_mem>>) attributes {dimension_semantics = [#tpu.dimension_semantics<core_parallel>, #tpu.dimension_semantics<subcore_parallel>], iteration_bounds = array<i64: 2, 16>, scalar_prefetch = 0 : i64, scratch_operands = 5 : i64, tpu.core_type = #tpu.core_type<sc_vector_subcore>, window_params = [{transform_indices = #map}, {transform_indices = #map}, {transform_indices = #map}]} {
    %mul3A = arith.constant 2 : i32
    %mul3A_0 = arith.muli %arg1, %mul3A : i32
    %add3A = arith.addi %mul3A_0, %arg0 : i32
    %mul3A_1 = arith.constant 512 : i32
    %mul3A_2 = arith.muli %add3A, %mul3A_1 : i32
    %add3A_3 = arith.constant 0 : i32
    %add3A_4 = arith.addi %mul3A_2, %add3A_3 : i32
    %mul3A_5 = arith.constant 50 : i32
    %mul3A_6 = arith.muli %add3A_4, %mul3A_5 : i32
    %jit3A = arith.constant 100 : i32
    %div3A = arith.divsi %mul3A_6, %jit3A : i32
    %sign3A = arith.constant 0 : i32
    %sign3A_7 = arith.cmpi sgt, %mul3A_6, %sign3A : i32
    %sign3A_8 = arith.extui %sign3A_7 : i1 to i32
    %sign3A_9 = arith.constant 0 : i32
    %sign3A_10 = arith.cmpi slt, %mul3A_6, %sign3A_9 : i32
    %sign3A_11 = arith.extui %sign3A_10 : i1 to i32
    %sign3A_12 = arith.subi %sign3A_8, %sign3A_11 : i32
    %sign3A_13 = arith.constant 0 : i32
    %sign3A_14 = arith.cmpi sgt, %jit3A, %sign3A_13 : i32
    %sign3A_15 = arith.extui %sign3A_14 : i1 to i32
    %sign3A_16 = arith.constant 0 : i32
    %sign3A_17 = arith.cmpi slt, %jit3A, %sign3A_16 : i32
    %sign3A_18 = arith.extui %sign3A_17 : i1 to i32
    %sign3A_19 = arith.subi %sign3A_15, %sign3A_18 : i32
    %ne3A = arith.cmpi ne, %sign3A_12, %sign3A_19 : i32
    %rem3A = arith.remsi %mul3A_6, %jit3A : i32
    %ne3A_20 = arith.constant 0 : i32
    %ne3A_21 = arith.cmpi ne, %rem3A, %ne3A_20 : i32
    %and3A = arith.andi %ne3A, %ne3A_21 : i1
    %sub3A = arith.constant 1 : i32
    %sub3A_22 = arith.subi %div3A, %sub3A : i32
    %select_n3A = arith.select %and3A, %sub3A_22, %div3A : i32
    %multiple_of3A = tpu.assume_multiple %select_n3A, 8 : i32
    %run_scoped3A = arith.constant 0 : i32
    "tpu.region"() ({
      %run_scoped3A_131 = tpu.sem_alloc : memref<!tpu.dma_semaphore, #tpu.memory_space<semaphore_mem>>
      %dma_start3A_132 = arith.constant 0 : i32
      %dma_start3A_133 = arith.constant 0 : i32
      %dma_start3A_134 = tpu.memref_slice %arg5[%run_scoped3A, %dma_start3A_132, %dma_start3A_133] : memref<2x8x100xi32, #tpu.memory_space<vmem>> -> memref<1x8x100xi32, #tpu.memory_space<vmem>>
      %dma_start3A_135 = tpu.memref_squeeze %dma_start3A_134 : memref<1x8x100xi32, #tpu.memory_space<vmem>> -> memref<8x100xi32, #tpu.memory_space<vmem>>
      %dma_start3A_136 = arith.constant 0 : i32
      %dma_start3A_137 = tpu.memref_slice %arg2[%multiple_of3A, %dma_start3A_136] : memref<8192x100xi32, #tpu.memory_space<hbm>> -> memref<8x100xi32, #tpu.memory_space<hbm>>
      %dma_start3A_138 = arith.constant 0 : i32
      %dma_start3A_139 = arith.constant 0 : i32
      %dma_start3A_140 = tpu.memref_slice %arg5[%run_scoped3A, %dma_start3A_138, %dma_start3A_139] : memref<2x8x100xi32, #tpu.memory_space<vmem>> -> memref<1x8x100xi32, #tpu.memory_space<vmem>>
      %dma_start3A_141 = tpu.memref_squeeze %dma_start3A_140 : memref<1x8x100xi32, #tpu.memory_space<vmem>> -> memref<8x100xi32, #tpu.memory_space<vmem>>
      %dma_start3A_142 = arith.constant 0 : i32
      %dma_start3A_143 = tpu.memref_slice %arg2[%multiple_of3A, %dma_start3A_142] : memref<8192x100xi32, #tpu.memory_space<hbm>> -> memref<8x100xi32, #tpu.memory_space<hbm>>
      tpu.enqueue_dma source(%dma_start3A_143 : memref<8x100xi32, #tpu.memory_space<hbm>>) target(%dma_start3A_141 : memref<8x100xi32, #tpu.memory_space<vmem>>) target_semaphore(%run_scoped3A_131 : memref<!tpu.dma_semaphore, #tpu.memory_space<semaphore_mem>>)
      %dma_wait3A = arith.constant 0 : i32
      %dma_wait3A_144 = arith.constant 0 : i32
      %dma_wait3A_145 = tpu.memref_slice %arg5[%run_scoped3A, %dma_wait3A, %dma_wait3A_144] : memref<2x8x100xi32, #tpu.memory_space<vmem>> -> memref<1x8x100xi32, #tpu.memory_space<vmem>>
      %dma_wait3A_146 = tpu.memref_squeeze %dma_wait3A_145 : memref<1x8x100xi32, #tpu.memory_space<vmem>> -> memref<8x100xi32, #tpu.memory_space<vmem>>
      %dma_wait3A_147 = arith.constant 0 : i32
      %dma_wait3A_148 = tpu.memref_slice %arg2[%multiple_of3A, %dma_wait3A_147] : memref<8192x100xi32, #tpu.memory_space<hbm>> -> memref<8x100xi32, #tpu.memory_space<hbm>>
      %dma_wait3A_149 = arith.constant 0 : i32
      %dma_wait3A_150 = arith.constant 0 : i32
      %dma_wait3A_151 = tpu.memref_slice %arg5[%run_scoped3A, %dma_wait3A_149, %dma_wait3A_150] : memref<2x8x100xi32, #tpu.memory_space<vmem>> -> memref<1x8x100xi32, #tpu.memory_space<vmem>>
      %dma_wait3A_152 = tpu.memref_squeeze %dma_wait3A_151 : memref<1x8x100xi32, #tpu.memory_space<vmem>> -> memref<8x100xi32, #tpu.memory_space<vmem>>
      %dma_wait3A_153 = arith.constant 0 : i32
      %dma_wait3A_154 = tpu.memref_slice %arg2[%multiple_of3A, %dma_wait3A_153] : memref<8192x100xi32, #tpu.memory_space<hbm>> -> memref<8x100xi32, #tpu.memory_space<hbm>>
      tpu.wait_dma2 semaphore(%run_scoped3A_131 : memref<!tpu.dma_semaphore, #tpu.memory_space<semaphore_mem>>) src(%dma_wait3A_154 : memref<8x100xi32, #tpu.memory_space<hbm>>) dst(%dma_wait3A_152 : memref<8x100xi32, #tpu.memory_space<vmem>>)
      tpu.yield
    }) : () -> ()
    %dma_start3A = arith.constant 0 : i32
    %dma_start3A_23 = arith.constant 0 : i32
    %dma_start3A_24 = arith.constant 0 : i32
    %dma_start3A_25 = arith.constant 0 : i32
    %dma_start3A_26 = arith.constant 0 : i32
    %dma_start3A_27 = tpu.memref_slice %arg6[%dma_start3A_24, %dma_start3A_25, %dma_start3A_26] : memref<2x800x32xf32, #tpu.memory_space<vmem>> -> memref<1x100x32xf32, #tpu.memory_space<vmem>>
    %dma_start3A_28 = tpu.memref_squeeze %dma_start3A_27 : memref<1x100x32xf32, #tpu.memory_space<vmem>> -> memref<100x32xf32, #tpu.memory_space<vmem>>
    %dma_start3A_29 = arith.constant 0 : i32
    %dma_start3A_30 = tpu.memref_slice %arg5[%dma_start3A, %dma_start3A_23, %dma_start3A_29] : memref<2x8x100xi32, #tpu.memory_space<vmem>> -> memref<1x1x100xi32, #tpu.memory_space<vmem>>
    %dma_start3A_31 = tpu.memref_squeeze %dma_start3A_30 : memref<1x1x100xi32, #tpu.memory_space<vmem>> -> memref<100xi32, #tpu.memory_space<vmem>>
    %dma_start3A_32 = arith.constant 0 : i32
    %dma_start3A_33 = arith.constant 0 : i32
    %dma_start3A_34 = tpu.memref_slice %arg3[%dma_start3A_32, %dma_start3A_33] : memref<1015808x32xf32, #tpu.memory_space<hbm>> -> memref<1015808x32xf32, #tpu.memory_space<hbm>>
    tpu.enqueue_indirect_dma source(%dma_start3A_34 : memref<1015808x32xf32, #tpu.memory_space<hbm>>) target(%dma_start3A_28 : memref<100x32xf32, #tpu.memory_space<vmem>>) offsets(%dma_start3A_31 : memref<100xi32, #tpu.memory_space<vmem>>) semaphore(%arg8 : memref<!tpu.dma_semaphore, #tpu.memory_space<semaphore_mem>>)
    %dma_start3A_35 = arith.constant 0 : i32
    %dma_start3A_36 = arith.constant 1 : i32
    %dma_start3A_37 = arith.constant 0 : i32
    %dma_start3A_38 = arith.constant 100 : i32
    %dma_start3A_39 = arith.constant 0 : i32
    %dma_start3A_40 = tpu.memref_slice %arg6[%dma_start3A_37, %dma_start3A_38, %dma_start3A_39] : memref<2x800x32xf32, #tpu.memory_space<vmem>> -> memref<1x100x32xf32, #tpu.memory_space<vmem>>
    %dma_start3A_41 = tpu.memref_squeeze %dma_start3A_40 : memref<1x100x32xf32, #tpu.memory_space<vmem>> -> memref<100x32xf32, #tpu.memory_space<vmem>>
    %dma_start3A_42 = arith.constant 0 : i32
    %dma_start3A_43 = tpu.memref_slice %arg5[%dma_start3A_35, %dma_start3A_36, %dma_start3A_42] : memref<2x8x100xi32, #tpu.memory_space<vmem>> -> memref<1x1x100xi32, #tpu.memory_space<vmem>>
    %dma_start3A_44 = tpu.memref_squeeze %dma_start3A_43 : memref<1x1x100xi32, #tpu.memory_space<vmem>> -> memref<100xi32, #tpu.memory_space<vmem>>
    %dma_start3A_45 = arith.constant 0 : i32
    %dma_start3A_46 = arith.constant 0 : i32
    %dma_start3A_47 = tpu.memref_slice %arg3[%dma_start3A_45, %dma_start3A_46] : memref<1015808x32xf32, #tpu.memory_space<hbm>> -> memref<1015808x32xf32, #tpu.memory_space<hbm>>
    tpu.enqueue_indirect_dma source(%dma_start3A_47 : memref<1015808x32xf32, #tpu.memory_space<hbm>>) target(%dma_start3A_41 : memref<100x32xf32, #tpu.memory_space<vmem>>) offsets(%dma_start3A_44 : memref<100xi32, #tpu.memory_space<vmem>>) semaphore(%arg8 : memref<!tpu.dma_semaphore, #tpu.memory_space<semaphore_mem>>)
    %dma_start3A_48 = arith.constant 0 : i32
    %dma_start3A_49 = arith.constant 2 : i32
    %dma_start3A_50 = arith.constant 0 : i32
    %dma_start3A_51 = arith.constant 200 : i32
    %dma_start3A_52 = arith.constant 0 : i32
    %dma_start3A_53 = tpu.memref_slice %arg6[%dma_start3A_50, %dma_start3A_51, %dma_start3A_52] : memref<2x800x32xf32, #tpu.memory_space<vmem>> -> memref<1x100x32xf32, #tpu.memory_space<vmem>>
    %dma_start3A_54 = tpu.memref_squeeze %dma_start3A_53 : memref<1x100x32xf32, #tpu.memory_space<vmem>> -> memref<100x32xf32, #tpu.memory_space<vmem>>
    %dma_start3A_55 = arith.constant 0 : i32
    %dma_start3A_56 = tpu.memref_slice %arg5[%dma_start3A_48, %dma_start3A_49, %dma_start3A_55] : memref<2x8x100xi32, #tpu.memory_space<vmem>> -> memref<1x1x100xi32, #tpu.memory_space<vmem>>
    %dma_start3A_57 = tpu.memref_squeeze %dma_start3A_56 : memref<1x1x100xi32, #tpu.memory_space<vmem>> -> memref<100xi32, #tpu.memory_space<vmem>>
    %dma_start3A_58 = arith.constant 0 : i32
    %dma_start3A_59 = arith.constant 0 : i32
    %dma_start3A_60 = tpu.memref_slice %arg3[%dma_start3A_58, %dma_start3A_59] : memref<1015808x32xf32, #tpu.memory_space<hbm>> -> memref<1015808x32xf32, #tpu.memory_space<hbm>>
    tpu.enqueue_indirect_dma source(%dma_start3A_60 : memref<1015808x32xf32, #tpu.memory_space<hbm>>) target(%dma_start3A_54 : memref<100x32xf32, #tpu.memory_space<vmem>>) offsets(%dma_start3A_57 : memref<100xi32, #tpu.memory_space<vmem>>) semaphore(%arg8 : memref<!tpu.dma_semaphore, #tpu.memory_space<semaphore_mem>>)
    %dma_start3A_61 = arith.constant 0 : i32
    %dma_start3A_62 = arith.constant 3 : i32
    %dma_start3A_63 = arith.constant 0 : i32
    %dma_start3A_64 = arith.constant 300 : i32
    %dma_start3A_65 = arith.constant 0 : i32
    %dma_start3A_66 = tpu.memref_slice %arg6[%dma_start3A_63, %dma_start3A_64, %dma_start3A_65] : memref<2x800x32xf32, #tpu.memory_space<vmem>> -> memref<1x100x32xf32, #tpu.memory_space<vmem>>
    %dma_start3A_67 = tpu.memref_squeeze %dma_start3A_66 : memref<1x100x32xf32, #tpu.memory_space<vmem>> -> memref<100x32xf32, #tpu.memory_space<vmem>>
    %dma_start3A_68 = arith.constant 0 : i32
    %dma_start3A_69 = tpu.memref_slice %arg5[%dma_start3A_61, %dma_start3A_62, %dma_start3A_68] : memref<2x8x100xi32, #tpu.memory_space<vmem>> -> memref<1x1x100xi32, #tpu.memory_space<vmem>>
    %dma_start3A_70 = tpu.memref_squeeze %dma_start3A_69 : memref<1x1x100xi32, #tpu.memory_space<vmem>> -> memref<100xi32, #tpu.memory_space<vmem>>
    %dma_start3A_71 = arith.constant 0 : i32
    %dma_start3A_72 = arith.constant 0 : i32
    %dma_start3A_73 = tpu.memref_slice %arg3[%dma_start3A_71, %dma_start3A_72] : memref<1015808x32xf32, #tpu.memory_space<hbm>> -> memref<1015808x32xf32, #tpu.memory_space<hbm>>
    tpu.enqueue_indirect_dma source(%dma_start3A_73 : memref<1015808x32xf32, #tpu.memory_space<hbm>>) target(%dma_start3A_67 : memref<100x32xf32, #tpu.memory_space<vmem>>) offsets(%dma_start3A_70 : memref<100xi32, #tpu.memory_space<vmem>>) semaphore(%arg8 : memref<!tpu.dma_semaphore, #tpu.memory_space<semaphore_mem>>)
    %dma_start3A_74 = arith.constant 0 : i32
    %dma_start3A_75 = arith.constant 4 : i32
    %dma_start3A_76 = arith.constant 0 : i32
    %dma_start3A_77 = arith.constant 400 : i32
    %dma_start3A_78 = arith.constant 0 : i32
    %dma_start3A_79 = tpu.memref_slice %arg6[%dma_start3A_76, %dma_start3A_77, %dma_start3A_78] : memref<2x800x32xf32, #tpu.memory_space<vmem>> -> memref<1x100x32xf32, #tpu.memory_space<vmem>>
    %dma_start3A_80 = tpu.memref_squeeze %dma_start3A_79 : memref<1x100x32xf32, #tpu.memory_space<vmem>> -> memref<100x32xf32, #tpu.memory_space<vmem>>
    %dma_start3A_81 = arith.constant 0 : i32
    %dma_start3A_82 = tpu.memref_slice %arg5[%dma_start3A_74, %dma_start3A_75, %dma_start3A_81] : memref<2x8x100xi32, #tpu.memory_space<vmem>> -> memref<1x1x100xi32, #tpu.memory_space<vmem>>
    %dma_start3A_83 = tpu.memref_squeeze %dma_start3A_82 : memref<1x1x100xi32, #tpu.memory_space<vmem>> -> memref<100xi32, #tpu.memory_space<vmem>>
    %dma_start3A_84 = arith.constant 0 : i32
    %dma_start3A_85 = arith.constant 0 : i32
    %dma_start3A_86 = tpu.memref_slice %arg3[%dma_start3A_84, %dma_start3A_85] : memref<1015808x32xf32, #tpu.memory_space<hbm>> -> memref<1015808x32xf32, #tpu.memory_space<hbm>>
    tpu.enqueue_indirect_dma source(%dma_start3A_86 : memref<1015808x32xf32, #tpu.memory_space<hbm>>) target(%dma_start3A_80 : memref<100x32xf32, #tpu.memory_space<vmem>>) offsets(%dma_start3A_83 : memref<100xi32, #tpu.memory_space<vmem>>) semaphore(%arg8 : memref<!tpu.dma_semaphore, #tpu.memory_space<semaphore_mem>>)
    %dma_start3A_87 = arith.constant 0 : i32
    %dma_start3A_88 = arith.constant 5 : i32
    %dma_start3A_89 = arith.constant 0 : i32
    %dma_start3A_90 = arith.constant 500 : i32
    %dma_start3A_91 = arith.constant 0 : i32
    %dma_start3A_92 = tpu.memref_slice %arg6[%dma_start3A_89, %dma_start3A_90, %dma_start3A_91] : memref<2x800x32xf32, #tpu.memory_space<vmem>> -> memref<1x100x32xf32, #tpu.memory_space<vmem>>
    %dma_start3A_93 = tpu.memref_squeeze %dma_start3A_92 : memref<1x100x32xf32, #tpu.memory_space<vmem>> -> memref<100x32xf32, #tpu.memory_space<vmem>>
    %dma_start3A_94 = arith.constant 0 : i32
    %dma_start3A_95 = tpu.memref_slice %arg5[%dma_start3A_87, %dma_start3A_88, %dma_start3A_94] : memref<2x8x100xi32, #tpu.memory_space<vmem>> -> memref<1x1x100xi32, #tpu.memory_space<vmem>>
    %dma_start3A_96 = tpu.memref_squeeze %dma_start3A_95 : memref<1x1x100xi32, #tpu.memory_space<vmem>> -> memref<100xi32, #tpu.memory_space<vmem>>
    %dma_start3A_97 = arith.constant 0 : i32
    %dma_start3A_98 = arith.constant 0 : i32
    %dma_start3A_99 = tpu.memref_slice %arg3[%dma_start3A_97, %dma_start3A_98] : memref<1015808x32xf32, #tpu.memory_space<hbm>> -> memref<1015808x32xf32, #tpu.memory_space<hbm>>
    tpu.enqueue_indirect_dma source(%dma_start3A_99 : memref<1015808x32xf32, #tpu.memory_space<hbm>>) target(%dma_start3A_93 : memref<100x32xf32, #tpu.memory_space<vmem>>) offsets(%dma_start3A_96 : memref<100xi32, #tpu.memory_space<vmem>>) semaphore(%arg8 : memref<!tpu.dma_semaphore, #tpu.memory_space<semaphore_mem>>)
    %dma_start3A_100 = arith.constant 0 : i32
    %dma_start3A_101 = arith.constant 6 : i32
    %dma_start3A_102 = arith.constant 0 : i32
    %dma_start3A_103 = arith.constant 600 : i32
    %dma_start3A_104 = arith.constant 0 : i32
    %dma_start3A_105 = tpu.memref_slice %arg6[%dma_start3A_102, %dma_start3A_103, %dma_start3A_104] : memref<2x800x32xf32, #tpu.memory_space<vmem>> -> memref<1x100x32xf32, #tpu.memory_space<vmem>>
    %dma_start3A_106 = tpu.memref_squeeze %dma_start3A_105 : memref<1x100x32xf32, #tpu.memory_space<vmem>> -> memref<100x32xf32, #tpu.memory_space<vmem>>
    %dma_start3A_107 = arith.constant 0 : i32
    %dma_start3A_108 = tpu.memref_slice %arg5[%dma_start3A_100, %dma_start3A_101, %dma_start3A_107] : memref<2x8x100xi32, #tpu.memory_space<vmem>> -> memref<1x1x100xi32, #tpu.memory_space<vmem>>
    %dma_start3A_109 = tpu.memref_squeeze %dma_start3A_108 : memref<1x1x100xi32, #tpu.memory_space<vmem>> -> memref<100xi32, #tpu.memory_space<vmem>>
    %dma_start3A_110 = arith.constant 0 : i32
    %dma_start3A_111 = arith.constant 0 : i32
    %dma_start3A_112 = tpu.memref_slice %arg3[%dma_start3A_110, %dma_start3A_111] : memref<1015808x32xf32, #tpu.memory_space<hbm>> -> memref<1015808x32xf32, #tpu.memory_space<hbm>>
    tpu.enqueue_indirect_dma source(%dma_start3A_112 : memref<1015808x32xf32, #tpu.memory_space<hbm>>) target(%dma_start3A_106 : memref<100x32xf32, #tpu.memory_space<vmem>>) offsets(%dma_start3A_109 : memref<100xi32, #tpu.memory_space<vmem>>) semaphore(%arg8 : memref<!tpu.dma_semaphore, #tpu.memory_space<semaphore_mem>>)
    %dma_start3A_113 = arith.constant 0 : i32
    %dma_start3A_114 = arith.constant 7 : i32
    %dma_start3A_115 = arith.constant 0 : i32
    %dma_start3A_116 = arith.constant 700 : i32
    %dma_start3A_117 = arith.constant 0 : i32
    %dma_start3A_118 = tpu.memref_slice %arg6[%dma_start3A_115, %dma_start3A_116, %dma_start3A_117] : memref<2x800x32xf32, #tpu.memory_space<vmem>> -> memref<1x100x32xf32, #tpu.memory_space<vmem>>
    %dma_start3A_119 = tpu.memref_squeeze %dma_start3A_118 : memref<1x100x32xf32, #tpu.memory_space<vmem>> -> memref<100x32xf32, #tpu.memory_space<vmem>>
    %dma_start3A_120 = arith.constant 0 : i32
    %dma_start3A_121 = tpu.memref_slice %arg5[%dma_start3A_113, %dma_start3A_114, %dma_start3A_120] : memref<2x8x100xi32, #tpu.memory_space<vmem>> -> memref<1x1x100xi32, #tpu.memory_space<vmem>>
    %dma_start3A_122 = tpu.memref_squeeze %dma_start3A_121 : memref<1x1x100xi32, #tpu.memory_space<vmem>> -> memref<100xi32, #tpu.memory_space<vmem>>
    %dma_start3A_123 = arith.constant 0 : i32
    %dma_start3A_124 = arith.constant 0 : i32
    %dma_start3A_125 = tpu.memref_slice %arg3[%dma_start3A_123, %dma_start3A_124] : memref<1015808x32xf32, #tpu.memory_space<hbm>> -> memref<1015808x32xf32, #tpu.memory_space<hbm>>
    tpu.enqueue_indirect_dma source(%dma_start3A_125 : memref<1015808x32xf32, #tpu.memory_space<hbm>>) target(%dma_start3A_119 : memref<100x32xf32, #tpu.memory_space<vmem>>) offsets(%dma_start3A_122 : memref<100xi32, #tpu.memory_space<vmem>>) semaphore(%arg8 : memref<!tpu.dma_semaphore, #tpu.memory_space<semaphore_mem>>)
    %scan3A = arith.constant 0 : i32
    %scan3A_126 = arith.constant 0 : i32
    %scan3A_127 = arith.constant 16 : i32
    %scan3A_128 = arith.addi %scan3A_126, %scan3A_127 : i32
    %scan3A_129 = arith.constant 1 : i32
    scf.for %scan3A_131 = %scan3A_126 to %scan3A_128 step %scan3A_129  : i32 {
      %mul3A_132 = arith.constant 2 : i32
      %mul3A_133 = arith.muli %scan3A_131, %mul3A_132 : i32
      %add3A_134 = arith.constant 0 : i32
      %add3A_135 = arith.addi %mul3A_133, %add3A_134 : i32
      %add3A_136 = arith.constant 1 : i32
      %add3A_137 = arith.addi %add3A_135, %add3A_136 : i32
      %lt3A = arith.constant 32 : i32
      %lt3A_138 = arith.cmpi slt, %add3A_137, %lt3A : i32
      %convert_element_type3A = arith.extui %lt3A_138 : i1 to i32
      %cond3A = arith.constant 0 : i32
      %cond3A_139 = arith.cmpi ne, %convert_element_type3A, %cond3A : i32
      scf.if %cond3A_139 {
        %add3A_376 = arith.constant 1 : i32
        %add3A_377 = arith.addi %add3A_135, %add3A_376 : i32
        %mul3A_378 = arith.constant 16 : i32
        %mul3A_379 = arith.muli %add3A_377, %mul3A_378 : i32
        %add3A_380 = arith.addi %mul3A_2, %mul3A_379 : i32
        %mul3A_381 = arith.constant 50 : i32
        %mul3A_382 = arith.muli %add3A_380, %mul3A_381 : i32
        %jit3A_383 = arith.constant 100 : i32
        %div3A_384 = arith.divsi %mul3A_382, %jit3A_383 : i32
        %sign3A_385 = arith.constant 0 : i32
        %sign3A_386 = arith.cmpi sgt, %mul3A_382, %sign3A_385 : i32
        %sign3A_387 = arith.extui %sign3A_386 : i1 to i32
        %sign3A_388 = arith.constant 0 : i32
        %sign3A_389 = arith.cmpi slt, %mul3A_382, %sign3A_388 : i32
        %sign3A_390 = arith.extui %sign3A_389 : i1 to i32
        %sign3A_391 = arith.subi %sign3A_387, %sign3A_390 : i32
        %sign3A_392 = arith.constant 0 : i32
        %sign3A_393 = arith.cmpi sgt, %jit3A_383, %sign3A_392 : i32
        %sign3A_394 = arith.extui %sign3A_393 : i1 to i32
        %sign3A_395 = arith.constant 0 : i32
        %sign3A_396 = arith.cmpi slt, %jit3A_383, %sign3A_395 : i32
        %sign3A_397 = arith.extui %sign3A_396 : i1 to i32
        %sign3A_398 = arith.subi %sign3A_394, %sign3A_397 : i32
        %ne3A_399 = arith.cmpi ne, %sign3A_391, %sign3A_398 : i32
        %rem3A_400 = arith.remsi %mul3A_382, %jit3A_383 : i32
        %ne3A_401 = arith.constant 0 : i32
        %ne3A_402 = arith.cmpi ne, %rem3A_400, %ne3A_401 : i32
        %and3A_403 = arith.andi %ne3A_399, %ne3A_402 : i1
        %sub3A_404 = arith.constant 1 : i32
        %sub3A_405 = arith.subi %div3A_384, %sub3A_404 : i32
        %select_n3A_406 = arith.select %and3A_403, %sub3A_405, %div3A_384 : i32
        %multiple_of3A_407 = tpu.assume_multiple %select_n3A_406, 8 : i32
        %run_scoped3A_408 = arith.constant 1 : i32
        "tpu.region"() ({
          %run_scoped3A_513 = tpu.sem_alloc : memref<!tpu.dma_semaphore, #tpu.memory_space<semaphore_mem>>
          %dma_start3A_514 = arith.constant 0 : i32
          %dma_start3A_515 = arith.constant 0 : i32
          %dma_start3A_516 = tpu.memref_slice %arg5[%run_scoped3A_408, %dma_start3A_514, %dma_start3A_515] : memref<2x8x100xi32, #tpu.memory_space<vmem>> -> memref<1x8x100xi32, #tpu.memory_space<vmem>>
          %dma_start3A_517 = tpu.memref_squeeze %dma_start3A_516 : memref<1x8x100xi32, #tpu.memory_space<vmem>> -> memref<8x100xi32, #tpu.memory_space<vmem>>
          %dma_start3A_518 = arith.constant 0 : i32
          %dma_start3A_519 = tpu.memref_slice %arg2[%multiple_of3A_407, %dma_start3A_518] : memref<8192x100xi32, #tpu.memory_space<hbm>> -> memref<8x100xi32, #tpu.memory_space<hbm>>
          %dma_start3A_520 = arith.constant 0 : i32
          %dma_start3A_521 = arith.constant 0 : i32
          %dma_start3A_522 = tpu.memref_slice %arg5[%run_scoped3A_408, %dma_start3A_520, %dma_start3A_521] : memref<2x8x100xi32, #tpu.memory_space<vmem>> -> memref<1x8x100xi32, #tpu.memory_space<vmem>>
          %dma_start3A_523 = tpu.memref_squeeze %dma_start3A_522 : memref<1x8x100xi32, #tpu.memory_space<vmem>> -> memref<8x100xi32, #tpu.memory_space<vmem>>
          %dma_start3A_524 = arith.constant 0 : i32
          %dma_start3A_525 = tpu.memref_slice %arg2[%multiple_of3A_407, %dma_start3A_524] : memref<8192x100xi32, #tpu.memory_space<hbm>> -> memref<8x100xi32, #tpu.memory_space<hbm>>
          tpu.enqueue_dma source(%dma_start3A_525 : memref<8x100xi32, #tpu.memory_space<hbm>>) target(%dma_start3A_523 : memref<8x100xi32, #tpu.memory_space<vmem>>) target_semaphore(%run_scoped3A_513 : memref<!tpu.dma_semaphore, #tpu.memory_space<semaphore_mem>>)
          %dma_wait3A_526 = arith.constant 0 : i32
          %dma_wait3A_527 = arith.constant 0 : i32
          %dma_wait3A_528 = tpu.memref_slice %arg5[%run_scoped3A_408, %dma_wait3A_526, %dma_wait3A_527] : memref<2x8x100xi32, #tpu.memory_space<vmem>> -> memref<1x8x100xi32, #tpu.memory_space<vmem>>
          %dma_wait3A_529 = tpu.memref_squeeze %dma_wait3A_528 : memref<1x8x100xi32, #tpu.memory_space<vmem>> -> memref<8x100xi32, #tpu.memory_space<vmem>>
          %dma_wait3A_530 = arith.constant 0 : i32
          %dma_wait3A_531 = tpu.memref_slice %arg2[%multiple_of3A_407, %dma_wait3A_530] : memref<8192x100xi32, #tpu.memory_space<hbm>> -> memref<8x100xi32, #tpu.memory_space<hbm>>
          %dma_wait3A_532 = arith.constant 0 : i32
          %dma_wait3A_533 = arith.constant 0 : i32
          %dma_wait3A_534 = tpu.memref_slice %arg5[%run_scoped3A_408, %dma_wait3A_532, %dma_wait3A_533] : memref<2x8x100xi32, #tpu.memory_space<vmem>> -> memref<1x8x100xi32, #tpu.memory_space<vmem>>
          %dma_wait3A_535 = tpu.memref_squeeze %dma_wait3A_534 : memref<1x8x100xi32, #tpu.memory_space<vmem>> -> memref<8x100xi32, #tpu.memory_space<vmem>>
          %dma_wait3A_536 = arith.constant 0 : i32
          %dma_wait3A_537 = tpu.memref_slice %arg2[%multiple_of3A_407, %dma_wait3A_536] : memref<8192x100xi32, #tpu.memory_space<hbm>> -> memref<8x100xi32, #tpu.memory_space<hbm>>
          tpu.wait_dma2 semaphore(%run_scoped3A_513 : memref<!tpu.dma_semaphore, #tpu.memory_space<semaphore_mem>>) src(%dma_wait3A_537 : memref<8x100xi32, #tpu.memory_space<hbm>>) dst(%dma_wait3A_535 : memref<8x100xi32, #tpu.memory_space<vmem>>)
          tpu.yield
        }) : () -> ()
        %dma_start3A_409 = arith.constant 1 : i32
        %dma_start3A_410 = arith.constant 0 : i32
        %dma_start3A_411 = arith.constant 1 : i32
        %dma_start3A_412 = arith.constant 0 : i32
        %dma_start3A_413 = arith.constant 0 : i32
        %dma_start3A_414 = tpu.memref_slice %arg6[%dma_start3A_411, %dma_start3A_412, %dma_start3A_413] : memref<2x800x32xf32, #tpu.memory_space<vmem>> -> memref<1x100x32xf32, #tpu.memory_space<vmem>>
        %dma_start3A_415 = tpu.memref_squeeze %dma_start3A_414 : memref<1x100x32xf32, #tpu.memory_space<vmem>> -> memref<100x32xf32, #tpu.memory_space<vmem>>
        %dma_start3A_416 = arith.constant 0 : i32
        %dma_start3A_417 = tpu.memref_slice %arg5[%dma_start3A_409, %dma_start3A_410, %dma_start3A_416] : memref<2x8x100xi32, #tpu.memory_space<vmem>> -> memref<1x1x100xi32, #tpu.memory_space<vmem>>
        %dma_start3A_418 = tpu.memref_squeeze %dma_start3A_417 : memref<1x1x100xi32, #tpu.memory_space<vmem>> -> memref<100xi32, #tpu.memory_space<vmem>>
        %dma_start3A_419 = arith.constant 0 : i32
        %dma_start3A_420 = arith.constant 0 : i32
        %dma_start3A_421 = tpu.memref_slice %arg3[%dma_start3A_419, %dma_start3A_420] : memref<1015808x32xf32, #tpu.memory_space<hbm>> -> memref<1015808x32xf32, #tpu.memory_space<hbm>>
        tpu.enqueue_indirect_dma source(%dma_start3A_421 : memref<1015808x32xf32, #tpu.memory_space<hbm>>) target(%dma_start3A_415 : memref<100x32xf32, #tpu.memory_space<vmem>>) offsets(%dma_start3A_418 : memref<100xi32, #tpu.memory_space<vmem>>) semaphore(%arg9 : memref<!tpu.dma_semaphore, #tpu.memory_space<semaphore_mem>>)
        %dma_start3A_422 = arith.constant 1 : i32
        %dma_start3A_423 = arith.constant 1 : i32
        %dma_start3A_424 = arith.constant 1 : i32
        %dma_start3A_425 = arith.constant 100 : i32
        %dma_start3A_426 = arith.constant 0 : i32
        %dma_start3A_427 = tpu.memref_slice %arg6[%dma_start3A_424, %dma_start3A_425, %dma_start3A_426] : memref<2x800x32xf32, #tpu.memory_space<vmem>> -> memref<1x100x32xf32, #tpu.memory_space<vmem>>
        %dma_start3A_428 = tpu.memref_squeeze %dma_start3A_427 : memref<1x100x32xf32, #tpu.memory_space<vmem>> -> memref<100x32xf32, #tpu.memory_space<vmem>>
        %dma_start3A_429 = arith.constant 0 : i32
        %dma_start3A_430 = tpu.memref_slice %arg5[%dma_start3A_422, %dma_start3A_423, %dma_start3A_429] : memref<2x8x100xi32, #tpu.memory_space<vmem>> -> memref<1x1x100xi32, #tpu.memory_space<vmem>>
        %dma_start3A_431 = tpu.memref_squeeze %dma_start3A_430 : memref<1x1x100xi32, #tpu.memory_space<vmem>> -> memref<100xi32, #tpu.memory_space<vmem>>
        %dma_start3A_432 = arith.constant 0 : i32
        %dma_start3A_433 = arith.constant 0 : i32
        %dma_start3A_434 = tpu.memref_slice %arg3[%dma_start3A_432, %dma_start3A_433] : memref<1015808x32xf32, #tpu.memory_space<hbm>> -> memref<1015808x32xf32, #tpu.memory_space<hbm>>
        tpu.enqueue_indirect_dma source(%dma_start3A_434 : memref<1015808x32xf32, #tpu.memory_space<hbm>>) target(%dma_start3A_428 : memref<100x32xf32, #tpu.memory_space<vmem>>) offsets(%dma_start3A_431 : memref<100xi32, #tpu.memory_space<vmem>>) semaphore(%arg9 : memref<!tpu.dma_semaphore, #tpu.memory_space<semaphore_mem>>)
        %dma_start3A_435 = arith.constant 1 : i32
        %dma_start3A_436 = arith.constant 2 : i32
        %dma_start3A_437 = arith.constant 1 : i32
        %dma_start3A_438 = arith.constant 200 : i32
        %dma_start3A_439 = arith.constant 0 : i32
        %dma_start3A_440 = tpu.memref_slice %arg6[%dma_start3A_437, %dma_start3A_438, %dma_start3A_439] : memref<2x800x32xf32, #tpu.memory_space<vmem>> -> memref<1x100x32xf32, #tpu.memory_space<vmem>>
        %dma_start3A_441 = tpu.memref_squeeze %dma_start3A_440 : memref<1x100x32xf32, #tpu.memory_space<vmem>> -> memref<100x32xf32, #tpu.memory_space<vmem>>
        %dma_start3A_442 = arith.constant 0 : i32
        %dma_start3A_443 = tpu.memref_slice %arg5[%dma_start3A_435, %dma_start3A_436, %dma_start3A_442] : memref<2x8x100xi32, #tpu.memory_space<vmem>> -> memref<1x1x100xi32, #tpu.memory_space<vmem>>
        %dma_start3A_444 = tpu.memref_squeeze %dma_start3A_443 : memref<1x1x100xi32, #tpu.memory_space<vmem>> -> memref<100xi32, #tpu.memory_space<vmem>>
        %dma_start3A_445 = arith.constant 0 : i32
        %dma_start3A_446 = arith.constant 0 : i32
        %dma_start3A_447 = tpu.memref_slice %arg3[%dma_start3A_445, %dma_start3A_446] : memref<1015808x32xf32, #tpu.memory_space<hbm>> -> memref<1015808x32xf32, #tpu.memory_space<hbm>>
        tpu.enqueue_indirect_dma source(%dma_start3A_447 : memref<1015808x32xf32, #tpu.memory_space<hbm>>) target(%dma_start3A_441 : memref<100x32xf32, #tpu.memory_space<vmem>>) offsets(%dma_start3A_444 : memref<100xi32, #tpu.memory_space<vmem>>) semaphore(%arg9 : memref<!tpu.dma_semaphore, #tpu.memory_space<semaphore_mem>>)
        %dma_start3A_448 = arith.constant 1 : i32
        %dma_start3A_449 = arith.constant 3 : i32
        %dma_start3A_450 = arith.constant 1 : i32
        %dma_start3A_451 = arith.constant 300 : i32
        %dma_start3A_452 = arith.constant 0 : i32
        %dma_start3A_453 = tpu.memref_slice %arg6[%dma_start3A_450, %dma_start3A_451, %dma_start3A_452] : memref<2x800x32xf32, #tpu.memory_space<vmem>> -> memref<1x100x32xf32, #tpu.memory_space<vmem>>
        %dma_start3A_454 = tpu.memref_squeeze %dma_start3A_453 : memref<1x100x32xf32, #tpu.memory_space<vmem>> -> memref<100x32xf32, #tpu.memory_space<vmem>>
        %dma_start3A_455 = arith.constant 0 : i32
        %dma_start3A_456 = tpu.memref_slice %arg5[%dma_start3A_448, %dma_start3A_449, %dma_start3A_455] : memref<2x8x100xi32, #tpu.memory_space<vmem>> -> memref<1x1x100xi32, #tpu.memory_space<vmem>>
        %dma_start3A_457 = tpu.memref_squeeze %dma_start3A_456 : memref<1x1x100xi32, #tpu.memory_space<vmem>> -> memref<100xi32, #tpu.memory_space<vmem>>
        %dma_start3A_458 = arith.constant 0 : i32
        %dma_start3A_459 = arith.constant 0 : i32
        %dma_start3A_460 = tpu.memref_slice %arg3[%dma_start3A_458, %dma_start3A_459] : memref<1015808x32xf32, #tpu.memory_space<hbm>> -> memref<1015808x32xf32, #tpu.memory_space<hbm>>
        tpu.enqueue_indirect_dma source(%dma_start3A_460 : memref<1015808x32xf32, #tpu.memory_space<hbm>>) target(%dma_start3A_454 : memref<100x32xf32, #tpu.memory_space<vmem>>) offsets(%dma_start3A_457 : memref<100xi32, #tpu.memory_space<vmem>>) semaphore(%arg9 : memref<!tpu.dma_semaphore, #tpu.memory_space<semaphore_mem>>)
        %dma_start3A_461 = arith.constant 1 : i32
        %dma_start3A_462 = arith.constant 4 : i32
        %dma_start3A_463 = arith.constant 1 : i32
        %dma_start3A_464 = arith.constant 400 : i32
        %dma_start3A_465 = arith.constant 0 : i32
        %dma_start3A_466 = tpu.memref_slice %arg6[%dma_start3A_463, %dma_start3A_464, %dma_start3A_465] : memref<2x800x32xf32, #tpu.memory_space<vmem>> -> memref<1x100x32xf32, #tpu.memory_space<vmem>>
        %dma_start3A_467 = tpu.memref_squeeze %dma_start3A_466 : memref<1x100x32xf32, #tpu.memory_space<vmem>> -> memref<100x32xf32, #tpu.memory_space<vmem>>
        %dma_start3A_468 = arith.constant 0 : i32
        %dma_start3A_469 = tpu.memref_slice %arg5[%dma_start3A_461, %dma_start3A_462, %dma_start3A_468] : memref<2x8x100xi32, #tpu.memory_space<vmem>> -> memref<1x1x100xi32, #tpu.memory_space<vmem>>
        %dma_start3A_470 = tpu.memref_squeeze %dma_start3A_469 : memref<1x1x100xi32, #tpu.memory_space<vmem>> -> memref<100xi32, #tpu.memory_space<vmem>>
        %dma_start3A_471 = arith.constant 0 : i32
        %dma_start3A_472 = arith.constant 0 : i32
        %dma_start3A_473 = tpu.memref_slice %arg3[%dma_start3A_471, %dma_start3A_472] : memref<1015808x32xf32, #tpu.memory_space<hbm>> -> memref<1015808x32xf32, #tpu.memory_space<hbm>>
        tpu.enqueue_indirect_dma source(%dma_start3A_473 : memref<1015808x32xf32, #tpu.memory_space<hbm>>) target(%dma_start3A_467 : memref<100x32xf32, #tpu.memory_space<vmem>>) offsets(%dma_start3A_470 : memref<100xi32, #tpu.memory_space<vmem>>) semaphore(%arg9 : memref<!tpu.dma_semaphore, #tpu.memory_space<semaphore_mem>>)
        %dma_start3A_474 = arith.constant 1 : i32
        %dma_start3A_475 = arith.constant 5 : i32
        %dma_start3A_476 = arith.constant 1 : i32
        %dma_start3A_477 = arith.constant 500 : i32
        %dma_start3A_478 = arith.constant 0 : i32
        %dma_start3A_479 = tpu.memref_slice %arg6[%dma_start3A_476, %dma_start3A_477, %dma_start3A_478] : memref<2x800x32xf32, #tpu.memory_space<vmem>> -> memref<1x100x32xf32, #tpu.memory_space<vmem>>
        %dma_start3A_480 = tpu.memref_squeeze %dma_start3A_479 : memref<1x100x32xf32, #tpu.memory_space<vmem>> -> memref<100x32xf32, #tpu.memory_space<vmem>>
        %dma_start3A_481 = arith.constant 0 : i32
        %dma_start3A_482 = tpu.memref_slice %arg5[%dma_start3A_474, %dma_start3A_475, %dma_start3A_481] : memref<2x8x100xi32, #tpu.memory_space<vmem>> -> memref<1x1x100xi32, #tpu.memory_space<vmem>>
        %dma_start3A_483 = tpu.memref_squeeze %dma_start3A_482 : memref<1x1x100xi32, #tpu.memory_space<vmem>> -> memref<100xi32, #tpu.memory_space<vmem>>
        %dma_start3A_484 = arith.constant 0 : i32
        %dma_start3A_485 = arith.constant 0 : i32
        %dma_start3A_486 = tpu.memref_slice %arg3[%dma_start3A_484, %dma_start3A_485] : memref<1015808x32xf32, #tpu.memory_space<hbm>> -> memref<1015808x32xf32, #tpu.memory_space<hbm>>
        tpu.enqueue_indirect_dma source(%dma_start3A_486 : memref<1015808x32xf32, #tpu.memory_space<hbm>>) target(%dma_start3A_480 : memref<100x32xf32, #tpu.memory_space<vmem>>) offsets(%dma_start3A_483 : memref<100xi32, #tpu.memory_space<vmem>>) semaphore(%arg9 : memref<!tpu.dma_semaphore, #tpu.memory_space<semaphore_mem>>)
        %dma_start3A_487 = arith.constant 1 : i32
        %dma_start3A_488 = arith.constant 6 : i32
        %dma_start3A_489 = arith.constant 1 : i32
        %dma_start3A_490 = arith.constant 600 : i32
        %dma_start3A_491 = arith.constant 0 : i32
        %dma_start3A_492 = tpu.memref_slice %arg6[%dma_start3A_489, %dma_start3A_490, %dma_start3A_491] : memref<2x800x32xf32, #tpu.memory_space<vmem>> -> memref<1x100x32xf32, #tpu.memory_space<vmem>>
        %dma_start3A_493 = tpu.memref_squeeze %dma_start3A_492 : memref<1x100x32xf32, #tpu.memory_space<vmem>> -> memref<100x32xf32, #tpu.memory_space<vmem>>
        %dma_start3A_494 = arith.constant 0 : i32
        %dma_start3A_495 = tpu.memref_slice %arg5[%dma_start3A_487, %dma_start3A_488, %dma_start3A_494] : memref<2x8x100xi32, #tpu.memory_space<vmem>> -> memref<1x1x100xi32, #tpu.memory_space<vmem>>
        %dma_start3A_496 = tpu.memref_squeeze %dma_start3A_495 : memref<1x1x100xi32, #tpu.memory_space<vmem>> -> memref<100xi32, #tpu.memory_space<vmem>>
        %dma_start3A_497 = arith.constant 0 : i32
        %dma_start3A_498 = arith.constant 0 : i32
        %dma_start3A_499 = tpu.memref_slice %arg3[%dma_start3A_497, %dma_start3A_498] : memref<1015808x32xf32, #tpu.memory_space<hbm>> -> memref<1015808x32xf32, #tpu.memory_space<hbm>>
        tpu.enqueue_indirect_dma source(%dma_start3A_499 : memref<1015808x32xf32, #tpu.memory_space<hbm>>) target(%dma_start3A_493 : memref<100x32xf32, #tpu.memory_space<vmem>>) offsets(%dma_start3A_496 : memref<100xi32, #tpu.memory_space<vmem>>) semaphore(%arg9 : memref<!tpu.dma_semaphore, #tpu.memory_space<semaphore_mem>>)
        %dma_start3A_500 = arith.constant 1 : i32
        %dma_start3A_501 = arith.constant 7 : i32
        %dma_start3A_502 = arith.constant 1 : i32
        %dma_start3A_503 = arith.constant 700 : i32
        %dma_start3A_504 = arith.constant 0 : i32
        %dma_start3A_505 = tpu.memref_slice %arg6[%dma_start3A_502, %dma_start3A_503, %dma_start3A_504] : memref<2x800x32xf32, #tpu.memory_space<vmem>> -> memref<1x100x32xf32, #tpu.memory_space<vmem>>
        %dma_start3A_506 = tpu.memref_squeeze %dma_start3A_505 : memref<1x100x32xf32, #tpu.memory_space<vmem>> -> memref<100x32xf32, #tpu.memory_space<vmem>>
        %dma_start3A_507 = arith.constant 0 : i32
        %dma_start3A_508 = tpu.memref_slice %arg5[%dma_start3A_500, %dma_start3A_501, %dma_start3A_507] : memref<2x8x100xi32, #tpu.memory_space<vmem>> -> memref<1x1x100xi32, #tpu.memory_space<vmem>>
        %dma_start3A_509 = tpu.memref_squeeze %dma_start3A_508 : memref<1x1x100xi32, #tpu.memory_space<vmem>> -> memref<100xi32, #tpu.memory_space<vmem>>
        %dma_start3A_510 = arith.constant 0 : i32
        %dma_start3A_511 = arith.constant 0 : i32
        %dma_start3A_512 = tpu.memref_slice %arg3[%dma_start3A_510, %dma_start3A_511] : memref<1015808x32xf32, #tpu.memory_space<hbm>> -> memref<1015808x32xf32, #tpu.memory_space<hbm>>
        tpu.enqueue_indirect_dma source(%dma_start3A_512 : memref<1015808x32xf32, #tpu.memory_space<hbm>>) target(%dma_start3A_506 : memref<100x32xf32, #tpu.memory_space<vmem>>) offsets(%dma_start3A_509 : memref<100xi32, #tpu.memory_space<vmem>>) semaphore(%arg9 : memref<!tpu.dma_semaphore, #tpu.memory_space<semaphore_mem>>)
      } else {
      }
      %dma_wait3A = arith.constant 0 : i32
      %dma_wait3A_140 = arith.constant 0 : i32
      %dma_wait3A_141 = arith.constant 0 : i32
      %dma_wait3A_142 = arith.constant 0 : i32
      %dma_wait3A_143 = arith.constant 0 : i32
      %dma_wait3A_144 = tpu.memref_slice %arg6[%dma_wait3A_141, %dma_wait3A_142, %dma_wait3A_143] : memref<2x800x32xf32, #tpu.memory_space<vmem>> -> memref<1x100x32xf32, #tpu.memory_space<vmem>>
      %dma_wait3A_145 = tpu.memref_squeeze %dma_wait3A_144 : memref<1x100x32xf32, #tpu.memory_space<vmem>> -> memref<100x32xf32, #tpu.memory_space<vmem>>
      %dma_wait3A_146 = arith.constant 0 : i32
      %dma_wait3A_147 = tpu.memref_slice %arg5[%dma_wait3A, %dma_wait3A_140, %dma_wait3A_146] : memref<2x8x100xi32, #tpu.memory_space<vmem>> -> memref<1x1x100xi32, #tpu.memory_space<vmem>>
      %dma_wait3A_148 = tpu.memref_squeeze %dma_wait3A_147 : memref<1x1x100xi32, #tpu.memory_space<vmem>> -> memref<100xi32, #tpu.memory_space<vmem>>
      %dma_wait3A_149 = arith.constant 0 : i32
      %dma_wait3A_150 = arith.constant 0 : i32
      %dma_wait3A_151 = tpu.memref_slice %arg3[%dma_wait3A_149, %dma_wait3A_150] : memref<1015808x32xf32, #tpu.memory_space<hbm>> -> memref<1015808x32xf32, #tpu.memory_space<hbm>>
      tpu.wait_indirect_dma semaphore(%arg8 : memref<!tpu.dma_semaphore, #tpu.memory_space<semaphore_mem>>) src(%dma_wait3A_151 : memref<1015808x32xf32, #tpu.memory_space<hbm>>) dst(%dma_wait3A_145 : memref<100x32xf32, #tpu.memory_space<vmem>>)
      %dma_wait3A_152 = arith.constant 0 : i32
      %dma_wait3A_153 = arith.constant 1 : i32
      %dma_wait3A_154 = arith.constant 0 : i32
      %dma_wait3A_155 = arith.constant 100 : i32
      %dma_wait3A_156 = arith.constant 0 : i32
      %dma_wait3A_157 = tpu.memref_slice %arg6[%dma_wait3A_154, %dma_wait3A_155, %dma_wait3A_156] : memref<2x800x32xf32, #tpu.memory_space<vmem>> -> memref<1x100x32xf32, #tpu.memory_space<vmem>>
      %dma_wait3A_158 = tpu.memref_squeeze %dma_wait3A_157 : memref<1x100x32xf32, #tpu.memory_space<vmem>> -> memref<100x32xf32, #tpu.memory_space<vmem>>
      %dma_wait3A_159 = arith.constant 0 : i32
      %dma_wait3A_160 = tpu.memref_slice %arg5[%dma_wait3A_152, %dma_wait3A_153, %dma_wait3A_159] : memref<2x8x100xi32, #tpu.memory_space<vmem>> -> memref<1x1x100xi32, #tpu.memory_space<vmem>>
      %dma_wait3A_161 = tpu.memref_squeeze %dma_wait3A_160 : memref<1x1x100xi32, #tpu.memory_space<vmem>> -> memref<100xi32, #tpu.memory_space<vmem>>
      %dma_wait3A_162 = arith.constant 0 : i32
      %dma_wait3A_163 = arith.constant 0 : i32
      %dma_wait3A_164 = tpu.memref_slice %arg3[%dma_wait3A_162, %dma_wait3A_163] : memref<1015808x32xf32, #tpu.memory_space<hbm>> -> memref<1015808x32xf32, #tpu.memory_space<hbm>>
      tpu.wait_indirect_dma semaphore(%arg8 : memref<!tpu.dma_semaphore, #tpu.memory_space<semaphore_mem>>) src(%dma_wait3A_164 : memref<1015808x32xf32, #tpu.memory_space<hbm>>) dst(%dma_wait3A_158 : memref<100x32xf32, #tpu.memory_space<vmem>>)
      %dma_wait3A_165 = arith.constant 0 : i32
      %dma_wait3A_166 = arith.constant 2 : i32
      %dma_wait3A_167 = arith.constant 0 : i32
      %dma_wait3A_168 = arith.constant 200 : i32
      %dma_wait3A_169 = arith.constant 0 : i32
      %dma_wait3A_170 = tpu.memref_slice %arg6[%dma_wait3A_167, %dma_wait3A_168, %dma_wait3A_169] : memref<2x800x32xf32, #tpu.memory_space<vmem>> -> memref<1x100x32xf32, #tpu.memory_space<vmem>>
      %dma_wait3A_171 = tpu.memref_squeeze %dma_wait3A_170 : memref<1x100x32xf32, #tpu.memory_space<vmem>> -> memref<100x32xf32, #tpu.memory_space<vmem>>
      %dma_wait3A_172 = arith.constant 0 : i32
      %dma_wait3A_173 = tpu.memref_slice %arg5[%dma_wait3A_165, %dma_wait3A_166, %dma_wait3A_172] : memref<2x8x100xi32, #tpu.memory_space<vmem>> -> memref<1x1x100xi32, #tpu.memory_space<vmem>>
      %dma_wait3A_174 = tpu.memref_squeeze %dma_wait3A_173 : memref<1x1x100xi32, #tpu.memory_space<vmem>> -> memref<100xi32, #tpu.memory_space<vmem>>
      %dma_wait3A_175 = arith.constant 0 : i32
      %dma_wait3A_176 = arith.constant 0 : i32
      %dma_wait3A_177 = tpu.memref_slice %arg3[%dma_wait3A_175, %dma_wait3A_176] : memref<1015808x32xf32, #tpu.memory_space<hbm>> -> memref<1015808x32xf32, #tpu.memory_space<hbm>>
      tpu.wait_indirect_dma semaphore(%arg8 : memref<!tpu.dma_semaphore, #tpu.memory_space<semaphore_mem>>) src(%dma_wait3A_177 : memref<1015808x32xf32, #tpu.memory_space<hbm>>) dst(%dma_wait3A_171 : memref<100x32xf32, #tpu.memory_space<vmem>>)
      %dma_wait3A_178 = arith.constant 0 : i32
      %dma_wait3A_179 = arith.constant 3 : i32
      %dma_wait3A_180 = arith.constant 0 : i32
      %dma_wait3A_181 = arith.constant 300 : i32
      %dma_wait3A_182 = arith.constant 0 : i32
      %dma_wait3A_183 = tpu.memref_slice %arg6[%dma_wait3A_180, %dma_wait3A_181, %dma_wait3A_182] : memref<2x800x32xf32, #tpu.memory_space<vmem>> -> memref<1x100x32xf32, #tpu.memory_space<vmem>>
      %dma_wait3A_184 = tpu.memref_squeeze %dma_wait3A_183 : memref<1x100x32xf32, #tpu.memory_space<vmem>> -> memref<100x32xf32, #tpu.memory_space<vmem>>
      %dma_wait3A_185 = arith.constant 0 : i32
      %dma_wait3A_186 = tpu.memref_slice %arg5[%dma_wait3A_178, %dma_wait3A_179, %dma_wait3A_185] : memref<2x8x100xi32, #tpu.memory_space<vmem>> -> memref<1x1x100xi32, #tpu.memory_space<vmem>>
      %dma_wait3A_187 = tpu.memref_squeeze %dma_wait3A_186 : memref<1x1x100xi32, #tpu.memory_space<vmem>> -> memref<100xi32, #tpu.memory_space<vmem>>
      %dma_wait3A_188 = arith.constant 0 : i32
      %dma_wait3A_189 = arith.constant 0 : i32
      %dma_wait3A_190 = tpu.memref_slice %arg3[%dma_wait3A_188, %dma_wait3A_189] : memref<1015808x32xf32, #tpu.memory_space<hbm>> -> memref<1015808x32xf32, #tpu.memory_space<hbm>>
      tpu.wait_indirect_dma semaphore(%arg8 : memref<!tpu.dma_semaphore, #tpu.memory_space<semaphore_mem>>) src(%dma_wait3A_190 : memref<1015808x32xf32, #tpu.memory_space<hbm>>) dst(%dma_wait3A_184 : memref<100x32xf32, #tpu.memory_space<vmem>>)
      %dma_wait3A_191 = arith.constant 0 : i32
      %dma_wait3A_192 = arith.constant 4 : i32
      %dma_wait3A_193 = arith.constant 0 : i32
      %dma_wait3A_194 = arith.constant 400 : i32
      %dma_wait3A_195 = arith.constant 0 : i32
      %dma_wait3A_196 = tpu.memref_slice %arg6[%dma_wait3A_193, %dma_wait3A_194, %dma_wait3A_195] : memref<2x800x32xf32, #tpu.memory_space<vmem>> -> memref<1x100x32xf32, #tpu.memory_space<vmem>>
      %dma_wait3A_197 = tpu.memref_squeeze %dma_wait3A_196 : memref<1x100x32xf32, #tpu.memory_space<vmem>> -> memref<100x32xf32, #tpu.memory_space<vmem>>
      %dma_wait3A_198 = arith.constant 0 : i32
      %dma_wait3A_199 = tpu.memref_slice %arg5[%dma_wait3A_191, %dma_wait3A_192, %dma_wait3A_198] : memref<2x8x100xi32, #tpu.memory_space<vmem>> -> memref<1x1x100xi32, #tpu.memory_space<vmem>>
      %dma_wait3A_200 = tpu.memref_squeeze %dma_wait3A_199 : memref<1x1x100xi32, #tpu.memory_space<vmem>> -> memref<100xi32, #tpu.memory_space<vmem>>
      %dma_wait3A_201 = arith.constant 0 : i32
      %dma_wait3A_202 = arith.constant 0 : i32
      %dma_wait3A_203 = tpu.memref_slice %arg3[%dma_wait3A_201, %dma_wait3A_202] : memref<1015808x32xf32, #tpu.memory_space<hbm>> -> memref<1015808x32xf32, #tpu.memory_space<hbm>>
      tpu.wait_indirect_dma semaphore(%arg8 : memref<!tpu.dma_semaphore, #tpu.memory_space<semaphore_mem>>) src(%dma_wait3A_203 : memref<1015808x32xf32, #tpu.memory_space<hbm>>) dst(%dma_wait3A_197 : memref<100x32xf32, #tpu.memory_space<vmem>>)
      %dma_wait3A_204 = arith.constant 0 : i32
      %dma_wait3A_205 = arith.constant 5 : i32
      %dma_wait3A_206 = arith.constant 0 : i32
      %dma_wait3A_207 = arith.constant 500 : i32
      %dma_wait3A_208 = arith.constant 0 : i32
      %dma_wait3A_209 = tpu.memref_slice %arg6[%dma_wait3A_206, %dma_wait3A_207, %dma_wait3A_208] : memref<2x800x32xf32, #tpu.memory_space<vmem>> -> memref<1x100x32xf32, #tpu.memory_space<vmem>>
      %dma_wait3A_210 = tpu.memref_squeeze %dma_wait3A_209 : memref<1x100x32xf32, #tpu.memory_space<vmem>> -> memref<100x32xf32, #tpu.memory_space<vmem>>
      %dma_wait3A_211 = arith.constant 0 : i32
      %dma_wait3A_212 = tpu.memref_slice %arg5[%dma_wait3A_204, %dma_wait3A_205, %dma_wait3A_211] : memref<2x8x100xi32, #tpu.memory_space<vmem>> -> memref<1x1x100xi32, #tpu.memory_space<vmem>>
      %dma_wait3A_213 = tpu.memref_squeeze %dma_wait3A_212 : memref<1x1x100xi32, #tpu.memory_space<vmem>> -> memref<100xi32, #tpu.memory_space<vmem>>
      %dma_wait3A_214 = arith.constant 0 : i32
      %dma_wait3A_215 = arith.constant 0 : i32
      %dma_wait3A_216 = tpu.memref_slice %arg3[%dma_wait3A_214, %dma_wait3A_215] : memref<1015808x32xf32, #tpu.memory_space<hbm>> -> memref<1015808x32xf32, #tpu.memory_space<hbm>>
      tpu.wait_indirect_dma semaphore(%arg8 : memref<!tpu.dma_semaphore, #tpu.memory_space<semaphore_mem>>) src(%dma_wait3A_216 : memref<1015808x32xf32, #tpu.memory_space<hbm>>) dst(%dma_wait3A_210 : memref<100x32xf32, #tpu.memory_space<vmem>>)
      %dma_wait3A_217 = arith.constant 0 : i32
      %dma_wait3A_218 = arith.constant 6 : i32
      %dma_wait3A_219 = arith.constant 0 : i32
      %dma_wait3A_220 = arith.constant 600 : i32
      %dma_wait3A_221 = arith.constant 0 : i32
      %dma_wait3A_222 = tpu.memref_slice %arg6[%dma_wait3A_219, %dma_wait3A_220, %dma_wait3A_221] : memref<2x800x32xf32, #tpu.memory_space<vmem>> -> memref<1x100x32xf32, #tpu.memory_space<vmem>>
      %dma_wait3A_223 = tpu.memref_squeeze %dma_wait3A_222 : memref<1x100x32xf32, #tpu.memory_space<vmem>> -> memref<100x32xf32, #tpu.memory_space<vmem>>
      %dma_wait3A_224 = arith.constant 0 : i32
      %dma_wait3A_225 = tpu.memref_slice %arg5[%dma_wait3A_217, %dma_wait3A_218, %dma_wait3A_224] : memref<2x8x100xi32, #tpu.memory_space<vmem>> -> memref<1x1x100xi32, #tpu.memory_space<vmem>>
      %dma_wait3A_226 = tpu.memref_squeeze %dma_wait3A_225 : memref<1x1x100xi32, #tpu.memory_space<vmem>> -> memref<100xi32, #tpu.memory_space<vmem>>
      %dma_wait3A_227 = arith.constant 0 : i32
      %dma_wait3A_228 = arith.constant 0 : i32
      %dma_wait3A_229 = tpu.memref_slice %arg3[%dma_wait3A_227, %dma_wait3A_228] : memref<1015808x32xf32, #tpu.memory_space<hbm>> -> memref<1015808x32xf32, #tpu.memory_space<hbm>>
      tpu.wait_indirect_dma semaphore(%arg8 : memref<!tpu.dma_semaphore, #tpu.memory_space<semaphore_mem>>) src(%dma_wait3A_229 : memref<1015808x32xf32, #tpu.memory_space<hbm>>) dst(%dma_wait3A_223 : memref<100x32xf32, #tpu.memory_space<vmem>>)
      %dma_wait3A_230 = arith.constant 0 : i32
      %dma_wait3A_231 = arith.constant 7 : i32
      %dma_wait3A_232 = arith.constant 0 : i32
      %dma_wait3A_233 = arith.constant 700 : i32
      %dma_wait3A_234 = arith.constant 0 : i32
      %dma_wait3A_235 = tpu.memref_slice %arg6[%dma_wait3A_232, %dma_wait3A_233, %dma_wait3A_234] : memref<2x800x32xf32, #tpu.memory_space<vmem>> -> memref<1x100x32xf32, #tpu.memory_space<vmem>>
      %dma_wait3A_236 = tpu.memref_squeeze %dma_wait3A_235 : memref<1x100x32xf32, #tpu.memory_space<vmem>> -> memref<100x32xf32, #tpu.memory_space<vmem>>
      %dma_wait3A_237 = arith.constant 0 : i32
      %dma_wait3A_238 = tpu.memref_slice %arg5[%dma_wait3A_230, %dma_wait3A_231, %dma_wait3A_237] : memref<2x8x100xi32, #tpu.memory_space<vmem>> -> memref<1x1x100xi32, #tpu.memory_space<vmem>>
      %dma_wait3A_239 = tpu.memref_squeeze %dma_wait3A_238 : memref<1x1x100xi32, #tpu.memory_space<vmem>> -> memref<100xi32, #tpu.memory_space<vmem>>
      %dma_wait3A_240 = arith.constant 0 : i32
      %dma_wait3A_241 = arith.constant 0 : i32
      %dma_wait3A_242 = tpu.memref_slice %arg3[%dma_wait3A_240, %dma_wait3A_241] : memref<1015808x32xf32, #tpu.memory_space<hbm>> -> memref<1015808x32xf32, #tpu.memory_space<hbm>>
      tpu.wait_indirect_dma semaphore(%arg8 : memref<!tpu.dma_semaphore, #tpu.memory_space<semaphore_mem>>) src(%dma_wait3A_242 : memref<1015808x32xf32, #tpu.memory_space<hbm>>) dst(%dma_wait3A_236 : memref<100x32xf32, #tpu.memory_space<vmem>>)
      %scan3A_243 = arith.constant 0 : i32
      %scan3A_244 = arith.constant 0 : i32
      %scan3A_245 = arith.constant 16 : i32
      %scan3A_246 = arith.addi %scan3A_244, %scan3A_245 : i32
      %scan3A_247 = arith.constant 1 : i32
      scf.for %scan3A_376 = %scan3A_244 to %scan3A_246 step %scan3A_247  : i32 {
        %mul3A_377 = arith.constant 50 : i32
        %mul3A_378 = arith.muli %scan3A_376, %mul3A_377 : i32
        %broadcast_in_dim3A = arith.constant 0.000000e+00 : f32
        %broadcast_in_dim3A_379 = vector.broadcast %broadcast_in_dim3A : f32 to vector<16xf32>
        %scan3A_380 = arith.constant 0 : i32
        %scan3A_381 = arith.constant 50 : i32
        %scan3A_382 = arith.addi %scan3A_380, %scan3A_381 : i32
        %scan3A_383 = arith.constant 1 : i32
        %scan3A_384:2 = scf.for %scan3A_395 = %scan3A_380 to %scan3A_382 step %scan3A_383 iter_args(%scan3A_396 = %broadcast_in_dim3A_379, %scan3A_397 = %broadcast_in_dim3A_379) -> (vector<16xf32>, vector<16xf32>)  : i32 {
          %add3A_398 = arith.addi %mul3A_378, %scan3A_395 : i32
          %get3A = arith.constant 0 : i32
          %get3A_399 = arith.index_cast %get3A : i32 to index
          %get3A_400 = arith.index_cast %add3A_398 : i32 to index
          %get3A_401 = arith.constant 0 : index
          %get3A_402 = tpu.vector_load %arg6[%get3A_399, %get3A_400, %get3A_401] {strides = array<i32>} : memref<2x800x32xf32, #tpu.memory_space<vmem>>, vector<1x1x16xf32>,
          %get3A_403 = vector.shape_cast %get3A_402 : vector<1x1x16xf32> to vector<16xf32>
          %add3A_404 = arith.addf %scan3A_396, %get3A_403 : vector<16xf32>
          %add3A_405 = arith.addi %mul3A_378, %scan3A_395 : i32
          %get3A_406 = arith.constant 0 : i32
          %get3A_407 = arith.index_cast %get3A_406 : i32 to index
          %get3A_408 = arith.index_cast %add3A_405 : i32 to index
          %get3A_409 = arith.constant 16 : index
          %get3A_410 = tpu.vector_load %arg6[%get3A_407, %get3A_408, %get3A_409] {strides = array<i32>} : memref<2x800x32xf32, #tpu.memory_space<vmem>>, vector<1x1x16xf32>,
          %get3A_411 = vector.shape_cast %get3A_410 : vector<1x1x16xf32> to vector<16xf32>
          %add3A_412 = arith.addf %scan3A_397, %get3A_411 : vector<16xf32>
          scf.yield %add3A_404, %add3A_412 : vector<16xf32>, vector<16xf32>
        }
        %scan3A_385 = arith.constant 50 : i32
        %swap3A = arith.index_cast %scan3A_376 : i32 to index
        %swap3A_386 = arith.constant 0 : index
        %swap3A_387 = tpu.vector_load %arg7[%swap3A, %swap3A_386] {strides = array<i32>} : memref<16x32xf32, #tpu.memory_space<vmem>>, vector<1x16xf32>,
        %swap3A_388 = vector.shape_cast %swap3A_387 : vector<1x16xf32> to vector<16xf32>
        %swap3A_389 = vector.shape_cast %scan3A_384#0 : vector<16xf32> to vector<1x16xf32>
        tpu.vector_store %arg7[%swap3A, %swap3A_386], %swap3A_389 {strides = array<i32>} : memref<16x32xf32, #tpu.memory_space<vmem>>, vector<1x16xf32>,
        %swap3A_390 = arith.index_cast %scan3A_376 : i32 to index
        %swap3A_391 = arith.constant 16 : index
        %swap3A_392 = tpu.vector_load %arg7[%swap3A_390, %swap3A_391] {strides = array<i32>} : memref<16x32xf32, #tpu.memory_space<vmem>>, vector<1x16xf32>,
        %swap3A_393 = vector.shape_cast %swap3A_392 : vector<1x16xf32> to vector<16xf32>
        %swap3A_394 = vector.shape_cast %scan3A_384#1 : vector<16xf32> to vector<1x16xf32>
        tpu.vector_store %arg7[%swap3A_390, %swap3A_391], %swap3A_394 {strides = array<i32>} : memref<16x32xf32, #tpu.memory_space<vmem>>, vector<1x16xf32>,
      }
      %scan3A_248 = arith.constant 16 : i32
      %mul3A_249 = arith.constant 16 : i32
      %mul3A_250 = arith.muli %add3A_135, %mul3A_249 : i32
      %add3A_251 = arith.addi %mul3A_2, %mul3A_250 : i32
      "tpu.region"() ({
        %run_scoped3A_376 = tpu.sem_alloc : memref<!tpu.dma_semaphore, #tpu.memory_space<semaphore_mem>>
        %dma_start3A_377 = arith.constant 0 : i32
        %dma_start3A_378 = tpu.memref_slice %arg4[%add3A_251, %dma_start3A_377] : memref<16384x32xf32, #tpu.memory_space<hbm>> -> memref<16x32xf32, #tpu.memory_space<hbm>>
        %dma_start3A_379 = arith.constant 0 : i32
        %dma_start3A_380 = tpu.memref_slice %arg4[%add3A_251, %dma_start3A_379] : memref<16384x32xf32, #tpu.memory_space<hbm>> -> memref<16x32xf32, #tpu.memory_space<hbm>>
        tpu.enqueue_dma source(%arg7 : memref<16x32xf32, #tpu.memory_space<vmem>>) target(%dma_start3A_380 : memref<16x32xf32, #tpu.memory_space<hbm>>) target_semaphore(%run_scoped3A_376 : memref<!tpu.dma_semaphore, #tpu.memory_space<semaphore_mem>>)
        %dma_wait3A_381 = arith.constant 0 : i32
        %dma_wait3A_382 = tpu.memref_slice %arg4[%add3A_251, %dma_wait3A_381] : memref<16384x32xf32, #tpu.memory_space<hbm>> -> memref<16x32xf32, #tpu.memory_space<hbm>>
        %dma_wait3A_383 = arith.constant 0 : i32
        %dma_wait3A_384 = tpu.memref_slice %arg4[%add3A_251, %dma_wait3A_383] : memref<16384x32xf32, #tpu.memory_space<hbm>> -> memref<16x32xf32, #tpu.memory_space<hbm>>
        tpu.wait_dma2 semaphore(%run_scoped3A_376 : memref<!tpu.dma_semaphore, #tpu.memory_space<semaphore_mem>>) src(%arg7 : memref<16x32xf32, #tpu.memory_space<vmem>>) dst(%dma_wait3A_384 : memref<16x32xf32, #tpu.memory_space<hbm>>)
        tpu.yield
      }) : () -> ()
      %mul3A_252 = arith.constant 2 : i32
      %mul3A_253 = arith.muli %scan3A_131, %mul3A_252 : i32
      %add3A_254 = arith.constant 1 : i32
      %add3A_255 = arith.addi %mul3A_253, %add3A_254 : i32
      %add3A_256 = arith.constant 1 : i32
      %add3A_257 = arith.addi %add3A_255, %add3A_256 : i32
      %lt3A_258 = arith.constant 32 : i32
      %lt3A_259 = arith.cmpi slt, %add3A_257, %lt3A_258 : i32
      %convert_element_type3A_260 = arith.extui %lt3A_259 : i1 to i32
      %cond3A_261 = arith.constant 0 : i32
      %cond3A_262 = arith.cmpi ne, %convert_element_type3A_260, %cond3A_261 : i32
      scf.if %cond3A_262 {
        %add3A_376 = arith.constant 1 : i32
        %add3A_377 = arith.addi %add3A_255, %add3A_376 : i32
        %mul3A_378 = arith.constant 16 : i32
        %mul3A_379 = arith.muli %add3A_377, %mul3A_378 : i32
        %add3A_380 = arith.addi %mul3A_2, %mul3A_379 : i32
        %mul3A_381 = arith.constant 50 : i32
        %mul3A_382 = arith.muli %add3A_380, %mul3A_381 : i32
        %jit3A_383 = arith.constant 100 : i32
        %div3A_384 = arith.divsi %mul3A_382, %jit3A_383 : i32
        %sign3A_385 = arith.constant 0 : i32
        %sign3A_386 = arith.cmpi sgt, %mul3A_382, %sign3A_385 : i32
        %sign3A_387 = arith.extui %sign3A_386 : i1 to i32
        %sign3A_388 = arith.constant 0 : i32
        %sign3A_389 = arith.cmpi slt, %mul3A_382, %sign3A_388 : i32
        %sign3A_390 = arith.extui %sign3A_389 : i1 to i32
        %sign3A_391 = arith.subi %sign3A_387, %sign3A_390 : i32
        %sign3A_392 = arith.constant 0 : i32
        %sign3A_393 = arith.cmpi sgt, %jit3A_383, %sign3A_392 : i32
        %sign3A_394 = arith.extui %sign3A_393 : i1 to i32
        %sign3A_395 = arith.constant 0 : i32
        %sign3A_396 = arith.cmpi slt, %jit3A_383, %sign3A_395 : i32
        %sign3A_397 = arith.extui %sign3A_396 : i1 to i32
        %sign3A_398 = arith.subi %sign3A_394, %sign3A_397 : i32
        %ne3A_399 = arith.cmpi ne, %sign3A_391, %sign3A_398 : i32
        %rem3A_400 = arith.remsi %mul3A_382, %jit3A_383 : i32
        %ne3A_401 = arith.constant 0 : i32
        %ne3A_402 = arith.cmpi ne, %rem3A_400, %ne3A_401 : i32
        %and3A_403 = arith.andi %ne3A_399, %ne3A_402 : i1
        %sub3A_404 = arith.constant 1 : i32
        %sub3A_405 = arith.subi %div3A_384, %sub3A_404 : i32
        %select_n3A_406 = arith.select %and3A_403, %sub3A_405, %div3A_384 : i32
        %multiple_of3A_407 = tpu.assume_multiple %select_n3A_406, 8 : i32
        %run_scoped3A_408 = arith.constant 0 : i32
        "tpu.region"() ({
          %run_scoped3A_513 = tpu.sem_alloc : memref<!tpu.dma_semaphore, #tpu.memory_space<semaphore_mem>>
          %dma_start3A_514 = arith.constant 0 : i32
          %dma_start3A_515 = arith.constant 0 : i32
          %dma_start3A_516 = tpu.memref_slice %arg5[%run_scoped3A_408, %dma_start3A_514, %dma_start3A_515] : memref<2x8x100xi32, #tpu.memory_space<vmem>> -> memref<1x8x100xi32, #tpu.memory_space<vmem>>
          %dma_start3A_517 = tpu.memref_squeeze %dma_start3A_516 : memref<1x8x100xi32, #tpu.memory_space<vmem>> -> memref<8x100xi32, #tpu.memory_space<vmem>>
          %dma_start3A_518 = arith.constant 0 : i32
          %dma_start3A_519 = tpu.memref_slice %arg2[%multiple_of3A_407, %dma_start3A_518] : memref<8192x100xi32, #tpu.memory_space<hbm>> -> memref<8x100xi32, #tpu.memory_space<hbm>>
          %dma_start3A_520 = arith.constant 0 : i32
          %dma_start3A_521 = arith.constant 0 : i32
          %dma_start3A_522 = tpu.memref_slice %arg5[%run_scoped3A_408, %dma_start3A_520, %dma_start3A_521] : memref<2x8x100xi32, #tpu.memory_space<vmem>> -> memref<1x8x100xi32, #tpu.memory_space<vmem>>
          %dma_start3A_523 = tpu.memref_squeeze %dma_start3A_522 : memref<1x8x100xi32, #tpu.memory_space<vmem>> -> memref<8x100xi32, #tpu.memory_space<vmem>>
          %dma_start3A_524 = arith.constant 0 : i32
          %dma_start3A_525 = tpu.memref_slice %arg2[%multiple_of3A_407, %dma_start3A_524] : memref<8192x100xi32, #tpu.memory_space<hbm>> -> memref<8x100xi32, #tpu.memory_space<hbm>>
          tpu.enqueue_dma source(%dma_start3A_525 : memref<8x100xi32, #tpu.memory_space<hbm>>) target(%dma_start3A_523 : memref<8x100xi32, #tpu.memory_space<vmem>>) target_semaphore(%run_scoped3A_513 : memref<!tpu.dma_semaphore, #tpu.memory_space<semaphore_mem>>)
          %dma_wait3A_526 = arith.constant 0 : i32
          %dma_wait3A_527 = arith.constant 0 : i32
          %dma_wait3A_528 = tpu.memref_slice %arg5[%run_scoped3A_408, %dma_wait3A_526, %dma_wait3A_527] : memref<2x8x100xi32, #tpu.memory_space<vmem>> -> memref<1x8x100xi32, #tpu.memory_space<vmem>>
          %dma_wait3A_529 = tpu.memref_squeeze %dma_wait3A_528 : memref<1x8x100xi32, #tpu.memory_space<vmem>> -> memref<8x100xi32, #tpu.memory_space<vmem>>
          %dma_wait3A_530 = arith.constant 0 : i32
          %dma_wait3A_531 = tpu.memref_slice %arg2[%multiple_of3A_407, %dma_wait3A_530] : memref<8192x100xi32, #tpu.memory_space<hbm>> -> memref<8x100xi32, #tpu.memory_space<hbm>>
          %dma_wait3A_532 = arith.constant 0 : i32
          %dma_wait3A_533 = arith.constant 0 : i32
          %dma_wait3A_534 = tpu.memref_slice %arg5[%run_scoped3A_408, %dma_wait3A_532, %dma_wait3A_533] : memref<2x8x100xi32, #tpu.memory_space<vmem>> -> memref<1x8x100xi32, #tpu.memory_space<vmem>>
          %dma_wait3A_535 = tpu.memref_squeeze %dma_wait3A_534 : memref<1x8x100xi32, #tpu.memory_space<vmem>> -> memref<8x100xi32, #tpu.memory_space<vmem>>
          %dma_wait3A_536 = arith.constant 0 : i32
          %dma_wait3A_537 = tpu.memref_slice %arg2[%multiple_of3A_407, %dma_wait3A_536] : memref<8192x100xi32, #tpu.memory_space<hbm>> -> memref<8x100xi32, #tpu.memory_space<hbm>>
          tpu.wait_dma2 semaphore(%run_scoped3A_513 : memref<!tpu.dma_semaphore, #tpu.memory_space<semaphore_mem>>) src(%dma_wait3A_537 : memref<8x100xi32, #tpu.memory_space<hbm>>) dst(%dma_wait3A_535 : memref<8x100xi32, #tpu.memory_space<vmem>>)
          tpu.yield
        }) : () -> ()
        %dma_start3A_409 = arith.constant 0 : i32
        %dma_start3A_410 = arith.constant 0 : i32
        %dma_start3A_411 = arith.constant 0 : i32
        %dma_start3A_412 = arith.constant 0 : i32
        %dma_start3A_413 = arith.constant 0 : i32
        %dma_start3A_414 = tpu.memref_slice %arg6[%dma_start3A_411, %dma_start3A_412, %dma_start3A_413] : memref<2x800x32xf32, #tpu.memory_space<vmem>> -> memref<1x100x32xf32, #tpu.memory_space<vmem>>
        %dma_start3A_415 = tpu.memref_squeeze %dma_start3A_414 : memref<1x100x32xf32, #tpu.memory_space<vmem>> -> memref<100x32xf32, #tpu.memory_space<vmem>>
        %dma_start3A_416 = arith.constant 0 : i32
        %dma_start3A_417 = tpu.memref_slice %arg5[%dma_start3A_409, %dma_start3A_410, %dma_start3A_416] : memref<2x8x100xi32, #tpu.memory_space<vmem>> -> memref<1x1x100xi32, #tpu.memory_space<vmem>>
        %dma_start3A_418 = tpu.memref_squeeze %dma_start3A_417 : memref<1x1x100xi32, #tpu.memory_space<vmem>> -> memref<100xi32, #tpu.memory_space<vmem>>
        %dma_start3A_419 = arith.constant 0 : i32
        %dma_start3A_420 = arith.constant 0 : i32
        %dma_start3A_421 = tpu.memref_slice %arg3[%dma_start3A_419, %dma_start3A_420] : memref<1015808x32xf32, #tpu.memory_space<hbm>> -> memref<1015808x32xf32, #tpu.memory_space<hbm>>
        tpu.enqueue_indirect_dma source(%dma_start3A_421 : memref<1015808x32xf32, #tpu.memory_space<hbm>>) target(%dma_start3A_415 : memref<100x32xf32, #tpu.memory_space<vmem>>) offsets(%dma_start3A_418 : memref<100xi32, #tpu.memory_space<vmem>>) semaphore(%arg8 : memref<!tpu.dma_semaphore, #tpu.memory_space<semaphore_mem>>)
        %dma_start3A_422 = arith.constant 0 : i32
        %dma_start3A_423 = arith.constant 1 : i32
        %dma_start3A_424 = arith.constant 0 : i32
        %dma_start3A_425 = arith.constant 100 : i32
        %dma_start3A_426 = arith.constant 0 : i32
        %dma_start3A_427 = tpu.memref_slice %arg6[%dma_start3A_424, %dma_start3A_425, %dma_start3A_426] : memref<2x800x32xf32, #tpu.memory_space<vmem>> -> memref<1x100x32xf32, #tpu.memory_space<vmem>>
        %dma_start3A_428 = tpu.memref_squeeze %dma_start3A_427 : memref<1x100x32xf32, #tpu.memory_space<vmem>> -> memref<100x32xf32, #tpu.memory_space<vmem>>
        %dma_start3A_429 = arith.constant 0 : i32
        %dma_start3A_430 = tpu.memref_slice %arg5[%dma_start3A_422, %dma_start3A_423, %dma_start3A_429] : memref<2x8x100xi32, #tpu.memory_space<vmem>> -> memref<1x1x100xi32, #tpu.memory_space<vmem>>
        %dma_start3A_431 = tpu.memref_squeeze %dma_start3A_430 : memref<1x1x100xi32, #tpu.memory_space<vmem>> -> memref<100xi32, #tpu.memory_space<vmem>>
        %dma_start3A_432 = arith.constant 0 : i32
        %dma_start3A_433 = arith.constant 0 : i32
        %dma_start3A_434 = tpu.memref_slice %arg3[%dma_start3A_432, %dma_start3A_433] : memref<1015808x32xf32, #tpu.memory_space<hbm>> -> memref<1015808x32xf32, #tpu.memory_space<hbm>>
        tpu.enqueue_indirect_dma source(%dma_start3A_434 : memref<1015808x32xf32, #tpu.memory_space<hbm>>) target(%dma_start3A_428 : memref<100x32xf32, #tpu.memory_space<vmem>>) offsets(%dma_start3A_431 : memref<100xi32, #tpu.memory_space<vmem>>) semaphore(%arg8 : memref<!tpu.dma_semaphore, #tpu.memory_space<semaphore_mem>>)
        %dma_start3A_435 = arith.constant 0 : i32
        %dma_start3A_436 = arith.constant 2 : i32
        %dma_start3A_437 = arith.constant 0 : i32
        %dma_start3A_438 = arith.constant 200 : i32
        %dma_start3A_439 = arith.constant 0 : i32
        %dma_start3A_440 = tpu.memref_slice %arg6[%dma_start3A_437, %dma_start3A_438, %dma_start3A_439] : memref<2x800x32xf32, #tpu.memory_space<vmem>> -> memref<1x100x32xf32, #tpu.memory_space<vmem>>
        %dma_start3A_441 = tpu.memref_squeeze %dma_start3A_440 : memref<1x100x32xf32, #tpu.memory_space<vmem>> -> memref<100x32xf32, #tpu.memory_space<vmem>>
        %dma_start3A_442 = arith.constant 0 : i32
        %dma_start3A_443 = tpu.memref_slice %arg5[%dma_start3A_435, %dma_start3A_436, %dma_start3A_442] : memref<2x8x100xi32, #tpu.memory_space<vmem>> -> memref<1x1x100xi32, #tpu.memory_space<vmem>>
        %dma_start3A_444 = tpu.memref_squeeze %dma_start3A_443 : memref<1x1x100xi32, #tpu.memory_space<vmem>> -> memref<100xi32, #tpu.memory_space<vmem>>
        %dma_start3A_445 = arith.constant 0 : i32
        %dma_start3A_446 = arith.constant 0 : i32
        %dma_start3A_447 = tpu.memref_slice %arg3[%dma_start3A_445, %dma_start3A_446] : memref<1015808x32xf32, #tpu.memory_space<hbm>> -> memref<1015808x32xf32, #tpu.memory_space<hbm>>
        tpu.enqueue_indirect_dma source(%dma_start3A_447 : memref<1015808x32xf32, #tpu.memory_space<hbm>>) target(%dma_start3A_441 : memref<100x32xf32, #tpu.memory_space<vmem>>) offsets(%dma_start3A_444 : memref<100xi32, #tpu.memory_space<vmem>>) semaphore(%arg8 : memref<!tpu.dma_semaphore, #tpu.memory_space<semaphore_mem>>)
        %dma_start3A_448 = arith.constant 0 : i32
        %dma_start3A_449 = arith.constant 3 : i32
        %dma_start3A_450 = arith.constant 0 : i32
        %dma_start3A_451 = arith.constant 300 : i32
        %dma_start3A_452 = arith.constant 0 : i32
        %dma_start3A_453 = tpu.memref_slice %arg6[%dma_start3A_450, %dma_start3A_451, %dma_start3A_452] : memref<2x800x32xf32, #tpu.memory_space<vmem>> -> memref<1x100x32xf32, #tpu.memory_space<vmem>>
        %dma_start3A_454 = tpu.memref_squeeze %dma_start3A_453 : memref<1x100x32xf32, #tpu.memory_space<vmem>> -> memref<100x32xf32, #tpu.memory_space<vmem>>
        %dma_start3A_455 = arith.constant 0 : i32
        %dma_start3A_456 = tpu.memref_slice %arg5[%dma_start3A_448, %dma_start3A_449, %dma_start3A_455] : memref<2x8x100xi32, #tpu.memory_space<vmem>> -> memref<1x1x100xi32, #tpu.memory_space<vmem>>
        %dma_start3A_457 = tpu.memref_squeeze %dma_start3A_456 : memref<1x1x100xi32, #tpu.memory_space<vmem>> -> memref<100xi32, #tpu.memory_space<vmem>>
        %dma_start3A_458 = arith.constant 0 : i32
        %dma_start3A_459 = arith.constant 0 : i32
        %dma_start3A_460 = tpu.memref_slice %arg3[%dma_start3A_458, %dma_start3A_459] : memref<1015808x32xf32, #tpu.memory_space<hbm>> -> memref<1015808x32xf32, #tpu.memory_space<hbm>>
        tpu.enqueue_indirect_dma source(%dma_start3A_460 : memref<1015808x32xf32, #tpu.memory_space<hbm>>) target(%dma_start3A_454 : memref<100x32xf32, #tpu.memory_space<vmem>>) offsets(%dma_start3A_457 : memref<100xi32, #tpu.memory_space<vmem>>) semaphore(%arg8 : memref<!tpu.dma_semaphore, #tpu.memory_space<semaphore_mem>>)
        %dma_start3A_461 = arith.constant 0 : i32
        %dma_start3A_462 = arith.constant 4 : i32
        %dma_start3A_463 = arith.constant 0 : i32
        %dma_start3A_464 = arith.constant 400 : i32
        %dma_start3A_465 = arith.constant 0 : i32
        %dma_start3A_466 = tpu.memref_slice %arg6[%dma_start3A_463, %dma_start3A_464, %dma_start3A_465] : memref<2x800x32xf32, #tpu.memory_space<vmem>> -> memref<1x100x32xf32, #tpu.memory_space<vmem>>
        %dma_start3A_467 = tpu.memref_squeeze %dma_start3A_466 : memref<1x100x32xf32, #tpu.memory_space<vmem>> -> memref<100x32xf32, #tpu.memory_space<vmem>>
        %dma_start3A_468 = arith.constant 0 : i32
        %dma_start3A_469 = tpu.memref_slice %arg5[%dma_start3A_461, %dma_start3A_462, %dma_start3A_468] : memref<2x8x100xi32, #tpu.memory_space<vmem>> -> memref<1x1x100xi32, #tpu.memory_space<vmem>>
        %dma_start3A_470 = tpu.memref_squeeze %dma_start3A_469 : memref<1x1x100xi32, #tpu.memory_space<vmem>> -> memref<100xi32, #tpu.memory_space<vmem>>
        %dma_start3A_471 = arith.constant 0 : i32
        %dma_start3A_472 = arith.constant 0 : i32
        %dma_start3A_473 = tpu.memref_slice %arg3[%dma_start3A_471, %dma_start3A_472] : memref<1015808x32xf32, #tpu.memory_space<hbm>> -> memref<1015808x32xf32, #tpu.memory_space<hbm>>
        tpu.enqueue_indirect_dma source(%dma_start3A_473 : memref<1015808x32xf32, #tpu.memory_space<hbm>>) target(%dma_start3A_467 : memref<100x32xf32, #tpu.memory_space<vmem>>) offsets(%dma_start3A_470 : memref<100xi32, #tpu.memory_space<vmem>>) semaphore(%arg8 : memref<!tpu.dma_semaphore, #tpu.memory_space<semaphore_mem>>)
        %dma_start3A_474 = arith.constant 0 : i32
        %dma_start3A_475 = arith.constant 5 : i32
        %dma_start3A_476 = arith.constant 0 : i32
        %dma_start3A_477 = arith.constant 500 : i32
        %dma_start3A_478 = arith.constant 0 : i32
        %dma_start3A_479 = tpu.memref_slice %arg6[%dma_start3A_476, %dma_start3A_477, %dma_start3A_478] : memref<2x800x32xf32, #tpu.memory_space<vmem>> -> memref<1x100x32xf32, #tpu.memory_space<vmem>>
        %dma_start3A_480 = tpu.memref_squeeze %dma_start3A_479 : memref<1x100x32xf32, #tpu.memory_space<vmem>> -> memref<100x32xf32, #tpu.memory_space<vmem>>
        %dma_start3A_481 = arith.constant 0 : i32
        %dma_start3A_482 = tpu.memref_slice %arg5[%dma_start3A_474, %dma_start3A_475, %dma_start3A_481] : memref<2x8x100xi32, #tpu.memory_space<vmem>> -> memref<1x1x100xi32, #tpu.memory_space<vmem>>
        %dma_start3A_483 = tpu.memref_squeeze %dma_start3A_482 : memref<1x1x100xi32, #tpu.memory_space<vmem>> -> memref<100xi32, #tpu.memory_space<vmem>>
        %dma_start3A_484 = arith.constant 0 : i32
        %dma_start3A_485 = arith.constant 0 : i32
        %dma_start3A_486 = tpu.memref_slice %arg3[%dma_start3A_484, %dma_start3A_485] : memref<1015808x32xf32, #tpu.memory_space<hbm>> -> memref<1015808x32xf32, #tpu.memory_space<hbm>>
        tpu.enqueue_indirect_dma source(%dma_start3A_486 : memref<1015808x32xf32, #tpu.memory_space<hbm>>) target(%dma_start3A_480 : memref<100x32xf32, #tpu.memory_space<vmem>>) offsets(%dma_start3A_483 : memref<100xi32, #tpu.memory_space<vmem>>) semaphore(%arg8 : memref<!tpu.dma_semaphore, #tpu.memory_space<semaphore_mem>>)
        %dma_start3A_487 = arith.constant 0 : i32
        %dma_start3A_488 = arith.constant 6 : i32
        %dma_start3A_489 = arith.constant 0 : i32
        %dma_start3A_490 = arith.constant 600 : i32
        %dma_start3A_491 = arith.constant 0 : i32
        %dma_start3A_492 = tpu.memref_slice %arg6[%dma_start3A_489, %dma_start3A_490, %dma_start3A_491] : memref<2x800x32xf32, #tpu.memory_space<vmem>> -> memref<1x100x32xf32, #tpu.memory_space<vmem>>
        %dma_start3A_493 = tpu.memref_squeeze %dma_start3A_492 : memref<1x100x32xf32, #tpu.memory_space<vmem>> -> memref<100x32xf32, #tpu.memory_space<vmem>>
        %dma_start3A_494 = arith.constant 0 : i32
        %dma_start3A_495 = tpu.memref_slice %arg5[%dma_start3A_487, %dma_start3A_488, %dma_start3A_494] : memref<2x8x100xi32, #tpu.memory_space<vmem>> -> memref<1x1x100xi32, #tpu.memory_space<vmem>>
        %dma_start3A_496 = tpu.memref_squeeze %dma_start3A_495 : memref<1x1x100xi32, #tpu.memory_space<vmem>> -> memref<100xi32, #tpu.memory_space<vmem>>
        %dma_start3A_497 = arith.constant 0 : i32
        %dma_start3A_498 = arith.constant 0 : i32
        %dma_start3A_499 = tpu.memref_slice %arg3[%dma_start3A_497, %dma_start3A_498] : memref<1015808x32xf32, #tpu.memory_space<hbm>> -> memref<1015808x32xf32, #tpu.memory_space<hbm>>
        tpu.enqueue_indirect_dma source(%dma_start3A_499 : memref<1015808x32xf32, #tpu.memory_space<hbm>>) target(%dma_start3A_493 : memref<100x32xf32, #tpu.memory_space<vmem>>) offsets(%dma_start3A_496 : memref<100xi32, #tpu.memory_space<vmem>>) semaphore(%arg8 : memref<!tpu.dma_semaphore, #tpu.memory_space<semaphore_mem>>)
        %dma_start3A_500 = arith.constant 0 : i32
        %dma_start3A_501 = arith.constant 7 : i32
        %dma_start3A_502 = arith.constant 0 : i32
        %dma_start3A_503 = arith.constant 700 : i32
        %dma_start3A_504 = arith.constant 0 : i32
        %dma_start3A_505 = tpu.memref_slice %arg6[%dma_start3A_502, %dma_start3A_503, %dma_start3A_504] : memref<2x800x32xf32, #tpu.memory_space<vmem>> -> memref<1x100x32xf32, #tpu.memory_space<vmem>>
        %dma_start3A_506 = tpu.memref_squeeze %dma_start3A_505 : memref<1x100x32xf32, #tpu.memory_space<vmem>> -> memref<100x32xf32, #tpu.memory_space<vmem>>
        %dma_start3A_507 = arith.constant 0 : i32
        %dma_start3A_508 = tpu.memref_slice %arg5[%dma_start3A_500, %dma_start3A_501, %dma_start3A_507] : memref<2x8x100xi32, #tpu.memory_space<vmem>> -> memref<1x1x100xi32, #tpu.memory_space<vmem>>
        %dma_start3A_509 = tpu.memref_squeeze %dma_start3A_508 : memref<1x1x100xi32, #tpu.memory_space<vmem>> -> memref<100xi32, #tpu.memory_space<vmem>>
        %dma_start3A_510 = arith.constant 0 : i32
        %dma_start3A_511 = arith.constant 0 : i32
        %dma_start3A_512 = tpu.memref_slice %arg3[%dma_start3A_510, %dma_start3A_511] : memref<1015808x32xf32, #tpu.memory_space<hbm>> -> memref<1015808x32xf32, #tpu.memory_space<hbm>>
        tpu.enqueue_indirect_dma source(%dma_start3A_512 : memref<1015808x32xf32, #tpu.memory_space<hbm>>) target(%dma_start3A_506 : memref<100x32xf32, #tpu.memory_space<vmem>>) offsets(%dma_start3A_509 : memref<100xi32, #tpu.memory_space<vmem>>) semaphore(%arg8 : memref<!tpu.dma_semaphore, #tpu.memory_space<semaphore_mem>>)
      } else {
      }
      %dma_wait3A_263 = arith.constant 1 : i32
      %dma_wait3A_264 = arith.constant 0 : i32
      %dma_wait3A_265 = arith.constant 1 : i32
      %dma_wait3A_266 = arith.constant 0 : i32
      %dma_wait3A_267 = arith.constant 0 : i32
      %dma_wait3A_268 = tpu.memref_slice %arg6[%dma_wait3A_265, %dma_wait3A_266, %dma_wait3A_267] : memref<2x800x32xf32, #tpu.memory_space<vmem>> -> memref<1x100x32xf32, #tpu.memory_space<vmem>>
      %dma_wait3A_269 = tpu.memref_squeeze %dma_wait3A_268 : memref<1x100x32xf32, #tpu.memory_space<vmem>> -> memref<100x32xf32, #tpu.memory_space<vmem>>
      %dma_wait3A_270 = arith.constant 0 : i32
      %dma_wait3A_271 = tpu.memref_slice %arg5[%dma_wait3A_263, %dma_wait3A_264, %dma_wait3A_270] : memref<2x8x100xi32, #tpu.memory_space<vmem>> -> memref<1x1x100xi32, #tpu.memory_space<vmem>>
      %dma_wait3A_272 = tpu.memref_squeeze %dma_wait3A_271 : memref<1x1x100xi32, #tpu.memory_space<vmem>> -> memref<100xi32, #tpu.memory_space<vmem>>
      %dma_wait3A_273 = arith.constant 0 : i32
      %dma_wait3A_274 = arith.constant 0 : i32
      %dma_wait3A_275 = tpu.memref_slice %arg3[%dma_wait3A_273, %dma_wait3A_274] : memref<1015808x32xf32, #tpu.memory_space<hbm>> -> memref<1015808x32xf32, #tpu.memory_space<hbm>>
      tpu.wait_indirect_dma semaphore(%arg9 : memref<!tpu.dma_semaphore, #tpu.memory_space<semaphore_mem>>) src(%dma_wait3A_275 : memref<1015808x32xf32, #tpu.memory_space<hbm>>) dst(%dma_wait3A_269 : memref<100x32xf32, #tpu.memory_space<vmem>>)
      %dma_wait3A_276 = arith.constant 1 : i32
      %dma_wait3A_277 = arith.constant 1 : i32
      %dma_wait3A_278 = arith.constant 1 : i32
      %dma_wait3A_279 = arith.constant 100 : i32
      %dma_wait3A_280 = arith.constant 0 : i32
      %dma_wait3A_281 = tpu.memref_slice %arg6[%dma_wait3A_278, %dma_wait3A_279, %dma_wait3A_280] : memref<2x800x32xf32, #tpu.memory_space<vmem>> -> memref<1x100x32xf32, #tpu.memory_space<vmem>>
      %dma_wait3A_282 = tpu.memref_squeeze %dma_wait3A_281 : memref<1x100x32xf32, #tpu.memory_space<vmem>> -> memref<100x32xf32, #tpu.memory_space<vmem>>
      %dma_wait3A_283 = arith.constant 0 : i32
      %dma_wait3A_284 = tpu.memref_slice %arg5[%dma_wait3A_276, %dma_wait3A_277, %dma_wait3A_283] : memref<2x8x100xi32, #tpu.memory_space<vmem>> -> memref<1x1x100xi32, #tpu.memory_space<vmem>>
      %dma_wait3A_285 = tpu.memref_squeeze %dma_wait3A_284 : memref<1x1x100xi32, #tpu.memory_space<vmem>> -> memref<100xi32, #tpu.memory_space<vmem>>
      %dma_wait3A_286 = arith.constant 0 : i32
      %dma_wait3A_287 = arith.constant 0 : i32
      %dma_wait3A_288 = tpu.memref_slice %arg3[%dma_wait3A_286, %dma_wait3A_287] : memref<1015808x32xf32, #tpu.memory_space<hbm>> -> memref<1015808x32xf32, #tpu.memory_space<hbm>>
      tpu.wait_indirect_dma semaphore(%arg9 : memref<!tpu.dma_semaphore, #tpu.memory_space<semaphore_mem>>) src(%dma_wait3A_288 : memref<1015808x32xf32, #tpu.memory_space<hbm>>) dst(%dma_wait3A_282 : memref<100x32xf32, #tpu.memory_space<vmem>>)
      %dma_wait3A_289 = arith.constant 1 : i32
      %dma_wait3A_290 = arith.constant 2 : i32
      %dma_wait3A_291 = arith.constant 1 : i32
      %dma_wait3A_292 = arith.constant 200 : i32
      %dma_wait3A_293 = arith.constant 0 : i32
      %dma_wait3A_294 = tpu.memref_slice %arg6[%dma_wait3A_291, %dma_wait3A_292, %dma_wait3A_293] : memref<2x800x32xf32, #tpu.memory_space<vmem>> -> memref<1x100x32xf32, #tpu.memory_space<vmem>>
      %dma_wait3A_295 = tpu.memref_squeeze %dma_wait3A_294 : memref<1x100x32xf32, #tpu.memory_space<vmem>> -> memref<100x32xf32, #tpu.memory_space<vmem>>
      %dma_wait3A_296 = arith.constant 0 : i32
      %dma_wait3A_297 = tpu.memref_slice %arg5[%dma_wait3A_289, %dma_wait3A_290, %dma_wait3A_296] : memref<2x8x100xi32, #tpu.memory_space<vmem>> -> memref<1x1x100xi32, #tpu.memory_space<vmem>>
      %dma_wait3A_298 = tpu.memref_squeeze %dma_wait3A_297 : memref<1x1x100xi32, #tpu.memory_space<vmem>> -> memref<100xi32, #tpu.memory_space<vmem>>
      %dma_wait3A_299 = arith.constant 0 : i32
      %dma_wait3A_300 = arith.constant 0 : i32
      %dma_wait3A_301 = tpu.memref_slice %arg3[%dma_wait3A_299, %dma_wait3A_300] : memref<1015808x32xf32, #tpu.memory_space<hbm>> -> memref<1015808x32xf32, #tpu.memory_space<hbm>>
      tpu.wait_indirect_dma semaphore(%arg9 : memref<!tpu.dma_semaphore, #tpu.memory_space<semaphore_mem>>) src(%dma_wait3A_301 : memref<1015808x32xf32, #tpu.memory_space<hbm>>) dst(%dma_wait3A_295 : memref<100x32xf32, #tpu.memory_space<vmem>>)
      %dma_wait3A_302 = arith.constant 1 : i32
      %dma_wait3A_303 = arith.constant 3 : i32
      %dma_wait3A_304 = arith.constant 1 : i32
      %dma_wait3A_305 = arith.constant 300 : i32
      %dma_wait3A_306 = arith.constant 0 : i32
      %dma_wait3A_307 = tpu.memref_slice %arg6[%dma_wait3A_304, %dma_wait3A_305, %dma_wait3A_306] : memref<2x800x32xf32, #tpu.memory_space<vmem>> -> memref<1x100x32xf32, #tpu.memory_space<vmem>>
      %dma_wait3A_308 = tpu.memref_squeeze %dma_wait3A_307 : memref<1x100x32xf32, #tpu.memory_space<vmem>> -> memref<100x32xf32, #tpu.memory_space<vmem>>
      %dma_wait3A_309 = arith.constant 0 : i32
      %dma_wait3A_310 = tpu.memref_slice %arg5[%dma_wait3A_302, %dma_wait3A_303, %dma_wait3A_309] : memref<2x8x100xi32, #tpu.memory_space<vmem>> -> memref<1x1x100xi32, #tpu.memory_space<vmem>>
      %dma_wait3A_311 = tpu.memref_squeeze %dma_wait3A_310 : memref<1x1x100xi32, #tpu.memory_space<vmem>> -> memref<100xi32, #tpu.memory_space<vmem>>
      %dma_wait3A_312 = arith.constant 0 : i32
      %dma_wait3A_313 = arith.constant 0 : i32
      %dma_wait3A_314 = tpu.memref_slice %arg3[%dma_wait3A_312, %dma_wait3A_313] : memref<1015808x32xf32, #tpu.memory_space<hbm>> -> memref<1015808x32xf32, #tpu.memory_space<hbm>>
      tpu.wait_indirect_dma semaphore(%arg9 : memref<!tpu.dma_semaphore, #tpu.memory_space<semaphore_mem>>) src(%dma_wait3A_314 : memref<1015808x32xf32, #tpu.memory_space<hbm>>) dst(%dma_wait3A_308 : memref<100x32xf32, #tpu.memory_space<vmem>>)
      %dma_wait3A_315 = arith.constant 1 : i32
      %dma_wait3A_316 = arith.constant 4 : i32
      %dma_wait3A_317 = arith.constant 1 : i32
      %dma_wait3A_318 = arith.constant 400 : i32
      %dma_wait3A_319 = arith.constant 0 : i32
      %dma_wait3A_320 = tpu.memref_slice %arg6[%dma_wait3A_317, %dma_wait3A_318, %dma_wait3A_319] : memref<2x800x32xf32, #tpu.memory_space<vmem>> -> memref<1x100x32xf32, #tpu.memory_space<vmem>>
      %dma_wait3A_321 = tpu.memref_squeeze %dma_wait3A_320 : memref<1x100x32xf32, #tpu.memory_space<vmem>> -> memref<100x32xf32, #tpu.memory_space<vmem>>
      %dma_wait3A_322 = arith.constant 0 : i32
      %dma_wait3A_323 = tpu.memref_slice %arg5[%dma_wait3A_315, %dma_wait3A_316, %dma_wait3A_322] : memref<2x8x100xi32, #tpu.memory_space<vmem>> -> memref<1x1x100xi32, #tpu.memory_space<vmem>>
      %dma_wait3A_324 = tpu.memref_squeeze %dma_wait3A_323 : memref<1x1x100xi32, #tpu.memory_space<vmem>> -> memref<100xi32, #tpu.memory_space<vmem>>
      %dma_wait3A_325 = arith.constant 0 : i32
      %dma_wait3A_326 = arith.constant 0 : i32
      %dma_wait3A_327 = tpu.memref_slice %arg3[%dma_wait3A_325, %dma_wait3A_326] : memref<1015808x32xf32, #tpu.memory_space<hbm>> -> memref<1015808x32xf32, #tpu.memory_space<hbm>>
      tpu.wait_indirect_dma semaphore(%arg9 : memref<!tpu.dma_semaphore, #tpu.memory_space<semaphore_mem>>) src(%dma_wait3A_327 : memref<1015808x32xf32, #tpu.memory_space<hbm>>) dst(%dma_wait3A_321 : memref<100x32xf32, #tpu.memory_space<vmem>>)
      %dma_wait3A_328 = arith.constant 1 : i32
      %dma_wait3A_329 = arith.constant 5 : i32
      %dma_wait3A_330 = arith.constant 1 : i32
      %dma_wait3A_331 = arith.constant 500 : i32
      %dma_wait3A_332 = arith.constant 0 : i32
      %dma_wait3A_333 = tpu.memref_slice %arg6[%dma_wait3A_330, %dma_wait3A_331, %dma_wait3A_332] : memref<2x800x32xf32, #tpu.memory_space<vmem>> -> memref<1x100x32xf32, #tpu.memory_space<vmem>>
      %dma_wait3A_334 = tpu.memref_squeeze %dma_wait3A_333 : memref<1x100x32xf32, #tpu.memory_space<vmem>> -> memref<100x32xf32, #tpu.memory_space<vmem>>
      %dma_wait3A_335 = arith.constant 0 : i32
      %dma_wait3A_336 = tpu.memref_slice %arg5[%dma_wait3A_328, %dma_wait3A_329, %dma_wait3A_335] : memref<2x8x100xi32, #tpu.memory_space<vmem>> -> memref<1x1x100xi32, #tpu.memory_space<vmem>>
      %dma_wait3A_337 = tpu.memref_squeeze %dma_wait3A_336 : memref<1x1x100xi32, #tpu.memory_space<vmem>> -> memref<100xi32, #tpu.memory_space<vmem>>
      %dma_wait3A_338 = arith.constant 0 : i32
      %dma_wait3A_339 = arith.constant 0 : i32
      %dma_wait3A_340 = tpu.memref_slice %arg3[%dma_wait3A_338, %dma_wait3A_339] : memref<1015808x32xf32, #tpu.memory_space<hbm>> -> memref<1015808x32xf32, #tpu.memory_space<hbm>>
      tpu.wait_indirect_dma semaphore(%arg9 : memref<!tpu.dma_semaphore, #tpu.memory_space<semaphore_mem>>) src(%dma_wait3A_340 : memref<1015808x32xf32, #tpu.memory_space<hbm>>) dst(%dma_wait3A_334 : memref<100x32xf32, #tpu.memory_space<vmem>>)
      %dma_wait3A_341 = arith.constant 1 : i32
      %dma_wait3A_342 = arith.constant 6 : i32
      %dma_wait3A_343 = arith.constant 1 : i32
      %dma_wait3A_344 = arith.constant 600 : i32
      %dma_wait3A_345 = arith.constant 0 : i32
      %dma_wait3A_346 = tpu.memref_slice %arg6[%dma_wait3A_343, %dma_wait3A_344, %dma_wait3A_345] : memref<2x800x32xf32, #tpu.memory_space<vmem>> -> memref<1x100x32xf32, #tpu.memory_space<vmem>>
      %dma_wait3A_347 = tpu.memref_squeeze %dma_wait3A_346 : memref<1x100x32xf32, #tpu.memory_space<vmem>> -> memref<100x32xf32, #tpu.memory_space<vmem>>
      %dma_wait3A_348 = arith.constant 0 : i32
      %dma_wait3A_349 = tpu.memref_slice %arg5[%dma_wait3A_341, %dma_wait3A_342, %dma_wait3A_348] : memref<2x8x100xi32, #tpu.memory_space<vmem>> -> memref<1x1x100xi32, #tpu.memory_space<vmem>>
      %dma_wait3A_350 = tpu.memref_squeeze %dma_wait3A_349 : memref<1x1x100xi32, #tpu.memory_space<vmem>> -> memref<100xi32, #tpu.memory_space<vmem>>
      %dma_wait3A_351 = arith.constant 0 : i32
      %dma_wait3A_352 = arith.constant 0 : i32
      %dma_wait3A_353 = tpu.memref_slice %arg3[%dma_wait3A_351, %dma_wait3A_352] : memref<1015808x32xf32, #tpu.memory_space<hbm>> -> memref<1015808x32xf32, #tpu.memory_space<hbm>>
      tpu.wait_indirect_dma semaphore(%arg9 : memref<!tpu.dma_semaphore, #tpu.memory_space<semaphore_mem>>) src(%dma_wait3A_353 : memref<1015808x32xf32, #tpu.memory_space<hbm>>) dst(%dma_wait3A_347 : memref<100x32xf32, #tpu.memory_space<vmem>>)
      %dma_wait3A_354 = arith.constant 1 : i32
      %dma_wait3A_355 = arith.constant 7 : i32
      %dma_wait3A_356 = arith.constant 1 : i32
      %dma_wait3A_357 = arith.constant 700 : i32
      %dma_wait3A_358 = arith.constant 0 : i32
      %dma_wait3A_359 = tpu.memref_slice %arg6[%dma_wait3A_356, %dma_wait3A_357, %dma_wait3A_358] : memref<2x800x32xf32, #tpu.memory_space<vmem>> -> memref<1x100x32xf32, #tpu.memory_space<vmem>>
      %dma_wait3A_360 = tpu.memref_squeeze %dma_wait3A_359 : memref<1x100x32xf32, #tpu.memory_space<vmem>> -> memref<100x32xf32, #tpu.memory_space<vmem>>
      %dma_wait3A_361 = arith.constant 0 : i32
      %dma_wait3A_362 = tpu.memref_slice %arg5[%dma_wait3A_354, %dma_wait3A_355, %dma_wait3A_361] : memref<2x8x100xi32, #tpu.memory_space<vmem>> -> memref<1x1x100xi32, #tpu.memory_space<vmem>>
      %dma_wait3A_363 = tpu.memref_squeeze %dma_wait3A_362 : memref<1x1x100xi32, #tpu.memory_space<vmem>> -> memref<100xi32, #tpu.memory_space<vmem>>
      %dma_wait3A_364 = arith.constant 0 : i32
      %dma_wait3A_365 = arith.constant 0 : i32
      %dma_wait3A_366 = tpu.memref_slice %arg3[%dma_wait3A_364, %dma_wait3A_365] : memref<1015808x32xf32, #tpu.memory_space<hbm>> -> memref<1015808x32xf32, #tpu.memory_space<hbm>>
      tpu.wait_indirect_dma semaphore(%arg9 : memref<!tpu.dma_semaphore, #tpu.memory_space<semaphore_mem>>) src(%dma_wait3A_366 : memref<1015808x32xf32, #tpu.memory_space<hbm>>) dst(%dma_wait3A_360 : memref<100x32xf32, #tpu.memory_space<vmem>>)
      %scan3A_367 = arith.constant 0 : i32
      %scan3A_368 = arith.constant 0 : i32
      %scan3A_369 = arith.constant 16 : i32
      %scan3A_370 = arith.addi %scan3A_368, %scan3A_369 : i32
      %scan3A_371 = arith.constant 1 : i32
      scf.for %scan3A_376 = %scan3A_368 to %scan3A_370 step %scan3A_371  : i32 {
        %mul3A_377 = arith.constant 50 : i32
        %mul3A_378 = arith.muli %scan3A_376, %mul3A_377 : i32
        %broadcast_in_dim3A = arith.constant 0.000000e+00 : f32
        %broadcast_in_dim3A_379 = vector.broadcast %broadcast_in_dim3A : f32 to vector<16xf32>
        %scan3A_380 = arith.constant 0 : i32
        %scan3A_381 = arith.constant 50 : i32
        %scan3A_382 = arith.addi %scan3A_380, %scan3A_381 : i32
        %scan3A_383 = arith.constant 1 : i32
        %scan3A_384:2 = scf.for %scan3A_395 = %scan3A_380 to %scan3A_382 step %scan3A_383 iter_args(%scan3A_396 = %broadcast_in_dim3A_379, %scan3A_397 = %broadcast_in_dim3A_379) -> (vector<16xf32>, vector<16xf32>)  : i32 {
          %add3A_398 = arith.addi %mul3A_378, %scan3A_395 : i32
          %get3A = arith.constant 1 : i32
          %get3A_399 = arith.index_cast %get3A : i32 to index
          %get3A_400 = arith.index_cast %add3A_398 : i32 to index
          %get3A_401 = arith.constant 0 : index
          %get3A_402 = tpu.vector_load %arg6[%get3A_399, %get3A_400, %get3A_401] {strides = array<i32>} : memref<2x800x32xf32, #tpu.memory_space<vmem>>, vector<1x1x16xf32>,
          %get3A_403 = vector.shape_cast %get3A_402 : vector<1x1x16xf32> to vector<16xf32>
          %add3A_404 = arith.addf %scan3A_396, %get3A_403 : vector<16xf32>
          %add3A_405 = arith.addi %mul3A_378, %scan3A_395 : i32
          %get3A_406 = arith.constant 1 : i32
          %get3A_407 = arith.index_cast %get3A_406 : i32 to index
          %get3A_408 = arith.index_cast %add3A_405 : i32 to index
          %get3A_409 = arith.constant 16 : index
          %get3A_410 = tpu.vector_load %arg6[%get3A_407, %get3A_408, %get3A_409] {strides = array<i32>} : memref<2x800x32xf32, #tpu.memory_space<vmem>>, vector<1x1x16xf32>,
          %get3A_411 = vector.shape_cast %get3A_410 : vector<1x1x16xf32> to vector<16xf32>
          %add3A_412 = arith.addf %scan3A_397, %get3A_411 : vector<16xf32>
          scf.yield %add3A_404, %add3A_412 : vector<16xf32>, vector<16xf32>
        }
        %scan3A_385 = arith.constant 50 : i32
        %swap3A = arith.index_cast %scan3A_376 : i32 to index
        %swap3A_386 = arith.constant 0 : index
        %swap3A_387 = tpu.vector_load %arg7[%swap3A, %swap3A_386] {strides = array<i32>} : memref<16x32xf32, #tpu.memory_space<vmem>>, vector<1x16xf32>,
        %swap3A_388 = vector.shape_cast %swap3A_387 : vector<1x16xf32> to vector<16xf32>
        %swap3A_389 = vector.shape_cast %scan3A_384#0 : vector<16xf32> to vector<1x16xf32>
        tpu.vector_store %arg7[%swap3A, %swap3A_386], %swap3A_389 {strides = array<i32>} : memref<16x32xf32, #tpu.memory_space<vmem>>, vector<1x16xf32>,
        %swap3A_390 = arith.index_cast %scan3A_376 : i32 to index
        %swap3A_391 = arith.constant 16 : index
        %swap3A_392 = tpu.vector_load %arg7[%swap3A_390, %swap3A_391] {strides = array<i32>} : memref<16x32xf32, #tpu.memory_space<vmem>>, vector<1x16xf32>,
        %swap3A_393 = vector.shape_cast %swap3A_392 : vector<1x16xf32> to vector<16xf32>
        %swap3A_394 = vector.shape_cast %scan3A_384#1 : vector<16xf32> to vector<1x16xf32>
        tpu.vector_store %arg7[%swap3A_390, %swap3A_391], %swap3A_394 {strides = array<i32>} : memref<16x32xf32, #tpu.memory_space<vmem>>, vector<1x16xf32>,
      }
      %scan3A_372 = arith.constant 16 : i32
      %mul3A_373 = arith.constant 16 : i32
      %mul3A_374 = arith.muli %add3A_255, %mul3A_373 : i32
      %add3A_375 = arith.addi %mul3A_2, %mul3A_374 : i32
      "tpu.region"() ({
        %run_scoped3A_376 = tpu.sem_alloc : memref<!tpu.dma_semaphore, #tpu.memory_space<semaphore_mem>>
        %dma_start3A_377 = arith.constant 0 : i32
        %dma_start3A_378 = tpu.memref_slice %arg4[%add3A_375, %dma_start3A_377] : memref<16384x32xf32, #tpu.memory_space<hbm>> -> memref<16x32xf32, #tpu.memory_space<hbm>>
        %dma_start3A_379 = arith.constant 0 : i32
        %dma_start3A_380 = tpu.memref_slice %arg4[%add3A_375, %dma_start3A_379] : memref<16384x32xf32, #tpu.memory_space<hbm>> -> memref<16x32xf32, #tpu.memory_space<hbm>>
        tpu.enqueue_dma source(%arg7 : memref<16x32xf32, #tpu.memory_space<vmem>>) target(%dma_start3A_380 : memref<16x32xf32, #tpu.memory_space<hbm>>) target_semaphore(%run_scoped3A_376 : memref<!tpu.dma_semaphore, #tpu.memory_space<semaphore_mem>>)
        %dma_wait3A_381 = arith.constant 0 : i32
        %dma_wait3A_382 = tpu.memref_slice %arg4[%add3A_375, %dma_wait3A_381] : memref<16384x32xf32, #tpu.memory_space<hbm>> -> memref<16x32xf32, #tpu.memory_space<hbm>>
        %dma_wait3A_383 = arith.constant 0 : i32
        %dma_wait3A_384 = tpu.memref_slice %arg4[%add3A_375, %dma_wait3A_383] : memref<16384x32xf32, #tpu.memory_space<hbm>> -> memref<16x32xf32, #tpu.memory_space<hbm>>
        tpu.wait_dma2 semaphore(%run_scoped3A_376 : memref<!tpu.dma_semaphore, #tpu.memory_space<semaphore_mem>>) src(%arg7 : memref<16x32xf32, #tpu.memory_space<vmem>>) dst(%dma_wait3A_384 : memref<16x32xf32, #tpu.memory_space<hbm>>)
        tpu.yield
      }) : () -> ()
    }
    %scan3A_130 = arith.constant 16 : i32
    return
  }
}

module attributes {stable_mosaic.version = 14 : i64} {
  func.func @_tr_body(%arg0: i32, %arg1: memref<32x16384xf32, #tpu.memory_space<vmem>>, %arg2: memref<4096x128xf32, #tpu.memory_space<vmem>>) attributes {dimension_semantics = [#tpu.dimension_semantics<arbitrary>], iteration_bounds = array<i64: 62>, scalar_prefetch = 0 : i64, scratch_operands = 0 : i64, tpu.core_type = #tpu.core_type<tc>, window_params = [{transform_indices = @transform_0, window_bounds = array<i64: 32, 16384>}, {transform_indices = @transform_1, window_bounds = array<i64: 4096, 128>}]} {
    %iota3A = tpu.iota {dimensions = array<i32: 0>} : vector<128x128xi32>
    %iota3A_0 = tpu.iota {dimensions = array<i32: 1>} : vector<128x128xi32>
    %eq3A = arith.cmpi eq, %iota3A, %iota3A_0 : vector<128x128xi32>
    %jit3A = arith.constant 1.000000e+00 : f32
    %jit3A_1 = arith.constant 0.000000e+00 : f32
    %broadcast_in_dim3A = vector.broadcast %jit3A : f32 to vector<128x128xf32>
    %broadcast_in_dim3A_2 = vector.broadcast %jit3A_1 : f32 to vector<128x128xf32>
    %select_n3A = arith.select %eq3A, %broadcast_in_dim3A, %broadcast_in_dim3A_2 : vector<128x128xi1>, vector<128x128xf32>
    %get3A = arith.constant 0 : index
    %get3A_3 = arith.constant 0 : index
    %get3A_4 = vector.load %arg1[%get3A, %get3A_3] : memref<32x16384xf32, #tpu.memory_space<vmem>>, vector<32x4096xf32>
    %get3A_5 = arith.constant 0 : index
    %get3A_6 = arith.constant 4096 : index
    %get3A_7 = vector.load %arg1[%get3A_5, %get3A_6] : memref<32x16384xf32, #tpu.memory_space<vmem>>, vector<32x4096xf32>
    %get3A_8 = arith.constant 0 : index
    %get3A_9 = arith.constant 8192 : index
    %get3A_10 = vector.load %arg1[%get3A_8, %get3A_9] : memref<32x16384xf32, #tpu.memory_space<vmem>>, vector<32x4096xf32>
    %get3A_11 = arith.constant 0 : index
    %get3A_12 = arith.constant 12288 : index
    %get3A_13 = vector.load %arg1[%get3A_11, %get3A_12] : memref<32x16384xf32, #tpu.memory_space<vmem>>, vector<32x4096xf32>
    %concatenate3A = tpu.concatenate %get3A_4, %get3A_7, %get3A_10, %get3A_13 in 0 : vector<32x4096xf32>, vector<32x4096xf32>, vector<32x4096xf32>, vector<32x4096xf32> -> vector<128x4096xf32>
    %dot_general3A = arith.constant dense<0.000000e+00> : vector<4096x128xf32>
    %dot_general3A_14 = tpu.matmul %concatenate3A, %select_n3A, %dot_general3A {dimension_numbers = #tpu.dot_dimension_numbers<[0], [0], [1], [1], [0, 1, 1, 1], [], []>, transpose_lhs_hint = false} : vector<128x4096xf32>, vector<128x128xf32>, vector<4096x128xf32> -> vector<4096x128xf32>
    %swap3A = arith.constant 0 : index
    %swap3A_15 = arith.constant 0 : index
    %swap3A_16 = vector.load %arg2[%swap3A, %swap3A_15] : memref<4096x128xf32, #tpu.memory_space<vmem>>, vector<4096x128xf32>
    tpu.vector_store %arg2[%swap3A, %swap3A_15], %dot_general3A_14 {strides = array<i32>} : memref<4096x128xf32, #tpu.memory_space<vmem>>, vector<4096x128xf32>,
    return
  }
  func.func @transform_0(%arg0: i32) -> (i32, i32) {
    %c0_i32 = arith.constant 0 : i32
    %c0_i32_0 = arith.constant 0 : i32
    return %c0_i32, %arg0 : i32, i32
  }
  func.func @transform_1(%arg0: i32) -> (i32, i32) {
    %c0_i32 = arith.constant 0 : i32
    %c0_i32_0 = arith.constant 0 : i32
    return %arg0, %c0_i32 : i32, i32
  }
}

module attributes {stable_mosaic.version = 14 : i64} {
  func.func @_matmul_body(%arg0: i32, %arg1: memref<1024x32xf32, #tpu.memory_space<vmem>>, %arg2: memref<128x32xf32, #tpu.memory_space<vmem>>, %arg3: memref<1024x128xf32, #tpu.memory_space<vmem>>) attributes {dimension_semantics = [#tpu.dimension_semantics<arbitrary>], iteration_bounds = array<i64: 16>, scalar_prefetch = 0 : i64, scratch_operands = 0 : i64, tpu.core_type = #tpu.core_type<tc>, window_params = [{transform_indices = @transform_0, window_bounds = array<i64: 1024, 32>}, {pipeline_mode = #tpu.pipeline_mode<synchronous>, transform_indices = @transform_1, window_bounds = array<i64: 128, 32>}, {transform_indices = @transform_2, window_bounds = array<i64: 1024, 128>}]} {
    %get3A = arith.constant 0 : index
    %get3A_0 = arith.constant 0 : index
    %get3A_1 = vector.load %arg1[%get3A, %get3A_0] : memref<1024x32xf32, #tpu.memory_space<vmem>>, vector<1024x32xf32>
    %get3A_2 = arith.constant 0 : index
    %get3A_3 = arith.constant 0 : index
    %get3A_4 = vector.load %arg2[%get3A_2, %get3A_3] : memref<128x32xf32, #tpu.memory_space<vmem>>, vector<128x32xf32>
    %dot_general3A = arith.constant dense<0.000000e+00> : vector<1024x128xf32>
    %dot_general3A_5 = tpu.matmul %get3A_1, %get3A_4, %dot_general3A {dimension_numbers = #tpu.dot_dimension_numbers<[1], [1], [0], [0], [0, 0, 1, 0], [], []>, transpose_lhs_hint = false} : vector<1024x32xf32>, vector<128x32xf32>, vector<1024x128xf32> -> vector<1024x128xf32>
    %swap3A = arith.constant 0 : index
    %swap3A_6 = arith.constant 0 : index
    %swap3A_7 = vector.load %arg3[%swap3A, %swap3A_6] : memref<1024x128xf32, #tpu.memory_space<vmem>>, vector<1024x128xf32>
    tpu.vector_store %arg3[%swap3A, %swap3A_6], %dot_general3A_5 {strides = array<i32>} : memref<1024x128xf32, #tpu.memory_space<vmem>>, vector<1024x128xf32>,
    return
  }
  func.func @transform_0(%arg0: i32) -> (i32, i32) {
    %c0_i32 = arith.constant 0 : i32
    %c0_i32_0 = arith.constant 0 : i32
    return %arg0, %c0_i32 : i32, i32
  }
  func.func @transform_1(%arg0: i32) -> (i32, i32) {
    %c0_i32 = arith.constant 0 : i32
    %c0_i32_0 = arith.constant 0 : i32
    %c0_i32_1 = arith.constant 0 : i32
    return %c0_i32, %c0_i32_0 : i32, i32
  }
  func.func @transform_2(%arg0: i32) -> (i32, i32) {
    %c0_i32 = arith.constant 0 : i32
    %c0_i32_0 = arith.constant 0 : i32
    return %arg0, %c0_i32 : i32, i32
  }
}

</mosaic_0001>

<sc_bundles>
// kernel: kernel.5.cloned.1.call-start
scs
__scs_entry_jumppad:
0x0: {  	(pc) =	sbr.rel $0x88, $3  }
0x1: {  	(tag) =	ssettag $0x0;
	lr =	simm.s32 $0x1  }
0x2: {  	[smem:$0x3F9E] =	sst lr;
	_ =	strace $0xD0000000  }
0x3: {  	_ = 	snop  }
0x4: {  	_ = 	snop  }
0x5: {  	_ = 	snop  }
0x6: {  	_ = 	snop  }
0x7: {  	_ = 	snop  }
__scs_overlays_trampoline_lowered:
0x8: {  	[smem:$0x3FAD] =	sst s0  }
0x9: {  	[smem:$0x3FAE] =	sst s1  }
0xa: {  	[smem:$0x3FAF] =	sst s2  }
0xb: {  	[smem:$0x3FB0] =	sst s3  }
0xc: {  	[smem:$0x3FB1] =	sst s4  }
0xd: {  	[smem:$0x3FB2] =	sst s5  }
0xe: {  	[smem:$0x3FB3] =	sst s6  }
0xf: {  	[smem:$0x3FB4] =	sst s7  }
0x10: {  	[smem:$0x3FB5] =	sst s8  }
0x11: {  	[smem:$0x3FB6] =	sst s9;
	s0 =	simm.s32 @!p0 $0x0  }
0x12: {  	s1 =	sld [smem:$0x3F9C];
	s0 =	simm.s32 @p0 $0x1  }
0x13: {  	[smem:$0x3FB7] =	sst s0;
	s0 =	simm.s32 @!p1 $0x0  }
0x14: {  	s2 =	sld [smem:$0x3F9B];
	s0 =	simm.s32 @p1 $0x1  }
0x15: {  	[smem:$0x3FB8] =	sst s0;
	s0 =	simm.s32 @!p2 $0x0  }
0x16: {  	s3 =	sld [smem:$0x3FDB];
	s0 =	simm.s32 @p2 $0x1  }
0x17: {  	s4 =	simm.s32 $0x1BF5;
	[smem:$0x3FBA] =	sst s0  }
0x18: {  	s0 =	sld [smem:$0x3F9D];
	_ =	swait.ge [sflag:s4], $0x0  }
0x19: {  	s7 =	sld [smem:$0x3F9E]  }
0x1a: {  	s8 =	sadd.s32 $0xFFFFE003, lr  }
0x1b: {  	s9 =	sadd.s32 $0xFFFFFEF7, lr;
	s5 =	simm.s32 $0xFFFFFFFF;
	p2 =	slt.u32 s8, $0xFFFFF086  }
0x1c: {  	p1 =	slt.u32 s9, $0xF7A;
	s5 =	simm.s32 @!p2 $0x0  }
0x1d: {  	s5 =	simm.s32 @p1 $0x1;
	p0 =	seq.s32 s7, s2  }
0x1e: {  	s7 =	smul.u32 @!p0 $0xF7A, s2;
	p2 =	seq.s32 @!p0 s5, $0x0  }
0x1f: {  	s9 =	smul.u32 $0xF7A, s1;
	s8 =	simm.s32 @!p0 $0x1BF5;
	p2 =	por !p2, p0  }
0x20: {  	[sflag:s8] =	ssyncset.s32 @!p0 $0xFFFFF086;
	s6 =	sadd.s32 @!p0 s3, s7;
	s7 =	simm.s32 @!p0 $0x108  }
0x21: {  	s3 =	sadd.s32 s3, s9;
	s6 =	sadd.s32 @!p0 $0x88, s6;
	s7 =	simm.s32 @p2 $0x1082  }
0x22: {  	[simem:s7], [sflag:s8] =	dma.local @!p0 [hbm:s6], $0xF7A  }
0x23: {  	s9 =	sor.u32 $0xD0000000, s2;
	s6 =	simm.s32 $0x108;
	_ =	swait.ge @!p0 [sflag:s8], $0x0  }
0x24: {  	s3 =	sadd.s32 $0x88, s3;
	s6 =	simm.s32 @!p1 $0x1082;
	[sflag:s4] =	ssyncset.s32 $0xFFFFF086  }
0x25: {  	[simem:s6], [sflag:s4] =	dma.local [hbm:s3], $0xF7A  }
0x26: {  	[smem:$0x3F9E] =	sst s1;
	(tag) =	ssettag s2;
	_ =	strace s9  }
0x27: {  	s1 =	sld [smem:$0x3FAE]  }
0x28: {  	s2 =	sld [smem:$0x3FAF]  }
0x29: {  	s4 =	sld [smem:$0x3FB1]  }
0x2a: {  	p0 =	seq.s32 s5, $0x0;
	s5 =	sld [smem:$0x3FB2]  }
0x2b: {  	s6 =	sld [smem:$0x3FB3]  }
0x2c: {  	s7 =	sld [smem:$0x3FB4]  }
0x2d: {  	s3 =	simm.s32 $0x108;
	s8 =	sld [smem:$0x3FB5]  }
0x2e: {  	s3 =	simm.s32 @!p0 $0x1082;
	s9 =	sld [smem:$0x3FB6]  }
0x2f: {  	lr =	sadd.s32 s0, s3;
	s0 =	sld [smem:$0x3FAD]  }
0x30: {  	s3 =	sld [smem:$0x3FB0]  }
0x31: {  	[smem:$0x3FB9] =	sst s10  }
0x32: {  	s10 =	sld [smem:$0x3FB7];
	_ =	sdelay $0x3  }
0x33: {  	p0 =	seq.s32 s10, $0x1;
	s10 =	sld [smem:$0x3FB9];
	_ =	sdelay $0x3  }
0x34: {  	[smem:$0x3FB9] =	sst s10  }
0x35: {  	s10 =	sld [smem:$0x3FB8];
	_ =	sdelay $0x3  }
0x36: {  	p1 =	seq.s32 s10, $0x1;
	s10 =	sld [smem:$0x3FB9];
	_ =	sdelay $0x3  }
0x37: {  	[smem:$0x3FB9] =	sst s10  }
0x38: {  	s10 =	sld [smem:$0x3FBA]  }
0x39: {  	_ = 	snop;
	(pc) =	sbr.ind lr, $3  }
0x3a: {  	_ = 	snop  }
0x3b: {  	_ = 	snop  }
0x3c: {  	p2 =	seq.s32 s10, $0x1;
	s10 =	sld [smem:$0x3FB9]  }
0x3d: {  	_ =	shalt  }
0x3e: {  	_ =	shalt  }
0x3f: {  	_ =	shalt  }
0x40: {  	_ =	shalt  }
0x41: {  	_ =	shalt  }
0x42: {  	_ =	shalt  }
0x43: {  	_ =	shalt  }
0x44: {  	_ =	shalt  }
0x45: {  	_ =	shalt  }
0x46: {  	_ =	shalt  }
0x47: {  	_ =	shalt  }
0x48: {  	_ =	shalt  }
0x49: {  	_ =	shalt  }
0x4a: {  	_ =	shalt  }
0x4b: {  	_ =	shalt  }
0x4c: {  	_ =	shalt  }
0x4d: {  	_ =	shalt  }
0x4e: {  	_ =	shalt  }
0x4f: {  	_ =	shalt  }
0x50: {  	_ =	shalt  }
0x51: {  	_ =	shalt  }
0x52: {  	_ =	shalt  }
0x53: {  	_ =	shalt  }
0x54: {  	_ =	shalt  }
0x55: {  	_ =	shalt  }
0x56: {  	_ =	shalt  }
0x57: {  	_ =	shalt  }
0x58: {  	_ =	shalt  }
0x59: {  	_ =	shalt  }
0x5a: {  	_ =	shalt  }
0x5b: {  	_ =	shalt  }
0x5c: {  	_ =	shalt  }
0x5d: {  	_ =	shalt  }
0x5e: {  	_ =	shalt  }
0x5f: {  	_ =	shalt  }
0x60: {  	_ =	shalt  }
0x61: {  	_ =	shalt  }
0x62: {  	_ =	shalt  }
0x63: {  	_ =	shalt  }
0x64: {  	_ =	shalt  }
0x65: {  	_ =	shalt  }
0x66: {  	_ =	shalt  }
0x67: {  	_ =	shalt  }
0x68: {  	_ =	shalt  }
0x69: {  	_ =	shalt  }
0x6a: {  	_ =	shalt  }
0x6b: {  	_ =	shalt  }
0x6c: {  	_ =	shalt  }
0x6d: {  	_ =	shalt  }
0x6e: {  	_ =	shalt  }
0x6f: {  	_ =	shalt  }
0x70: {  	_ =	shalt  }
0x71: {  	_ =	shalt  }
0x72: {  	_ =	shalt  }
0x73: {  	_ =	shalt  }
0x74: {  	_ =	shalt  }
0x75: {  	_ =	shalt  }
0x76: {  	_ =	shalt  }
0x77: {  	_ =	shalt  }
0x78: {  	_ =	shalt  }
0x79: {  	_ =	shalt  }
0x7a: {  	_ =	shalt  }
0x7b: {  	_ =	shalt  }
0x7c: {  	_ =	shalt  }
0x7d: {  	_ =	shalt  }
0x7e: {  	_ =	shalt  }
0x7f: {  	_ =	shalt  }
0x80: {  	_ =	shalt  }
0x81: {  	_ =	shalt  }
0x82: {  	_ =	shalt  }
0x83: {  	_ =	shalt  }
0x84: {  	_ =	shalt  }
0x85: {  	_ =	shalt  }
0x86: {  	_ =	shalt  }
0x87: {  	_ =	shalt  }
.Lfunc_end0:
.L_simem_size_0:
called_computation_lowered:
.L_overlay_start_0:
0x88: {  	s2 =	sld [smem:$0x3FD9]  }
0x89: {  	s3 =	sld [smem:$0x3FFE];
	_ =	sdelay $0x1  }
0x8a: {  	s1 =	srdreg.scid  }
0x8b: {  	s0 =	sand.u32 $0x1, s1  }
0x8c: {  	s17 =	sshll.u32 s0, $0xA;
	s2 =	sadd.s32 s3, s2  }
0x8d: {  	s2 =	sadd.s32 s2, s17  }
0x8e: {  	[smem:$0x3FC5] =	sst s2  }
0x8f: {  	_ = 	snop  }
0x90: {  	s2 =	sld [smem:$0x3FD0];
	(tm) =	ssettm $0x1  }
0x91: {  	s18 =	sld [smem:$0x3FFB];
	_ =	sdelay $0x3  }
0x92: {  	_ =	strace s18  }
0x93: {  	s3 =	sld [smem:$0x3FFC];
	_ =	sdelay $0x3  }
0x94: {  	_ =	strace s3  }
0x95: {  	s3 =	sld [smem:$0x3FFD];
	_ =	sdelay $0x3  }
0x96: {  	_ =	strace s3  }
0x97: {  	_ =	strace $0x8FFFFFFF  }
0x98: {  	s19 =	sld [smem:$0x3FDB];
	_ =	sdelay $0x1  }
0x99: {  	s4 =	simm.s32 $_scs_section_size  }
0x9a: {  	s5 =	simm.s32 $_size__tile_overlayer_lowered;
	s6 =	simm.s32 $_tile_overlayer_lowered  }
0x9b: {  	s22 =	simm.s32 $0x1BFF;
	s21 =	sshll.u32 s6, $0x1;
	s3 =	sadd.s32 s4, s19  }
0x9c: {  	s7 =	simm.s32 $0x0;
	s20 =	sshll.u32 s5, $0x1;
	s5 =	sadd.s32 s21, s3  }
0x9d: {  	[timem:s7], [sflag:s22] =	dma.local [hbm:s5], s20  }
0x9e: {  	_ =	swait.ge [sflag:s22], s20  }
0x9f: {  	s4 =	ssub.s32 $0x0, s20;
	[sflag:s22] =	ssyncset.done $0x0  }
0xa0: {  	[sflag:s22] =	ssyncadd.s32 s4;
	_ =	sdelay $0x1  }
0xa1: {  	s23 =	simm.s32 $0x1B8B  }
0xa2: {  	_ =	swait.ge [sflag:s23], $0x1  }
0xa3: {  	[sflag:s23] =	ssyncset.done $0x0  }
0xa4: {  	s25 =	simm.s32 $0x1B8E;
	s24 =	sld [smem:$0x3FFE];
	[sflag:s23] =	ssyncadd.s32 $0xFFFFFFFF  }
0xa5: {  	s26 =	simm.s32 $execute0_lowered;
	[smem:$0x3FD2] =	sst s25  }
0xa6: {  	s5 =	sshll.u32 s26, $0x1;
	_ =	strace $0x80000046;
	[dreg:$0x1] =	wrdreg $0xFFFFFFFF  }
0xa7: {  	s28 =	simm.s32 $_size_execute0_lowered;
	s3 =	sadd.s32 s3, s5;
	[dreg:$0x0] =	wrdreg $0x0  }
0xa8: {  	s5 =	sshll.u32 s28, $0x1;
	[dreg:$0x2] =	wrdreg s3  }
0xa9: {  	[dreg:$0x3] =	wrdreg s5  }
0xaa: {  	[dreg:$0x4] =	wrdreg $0xC0  }
0xab: {  	_ =	task [dreg:s7], $0x5FFFF  }
0xac: {  	[dreg:$0x1] =	wrdreg $0xFFFFFFFF  }
0xad: {  	[dreg:$0x0] =	wrdreg $0x60  }
0xae: {  	[dreg:$0x2] =	wrdreg s2  }
0xaf: {  	[dreg:$0x3] =	wrdreg s24  }
0xb0: {  	[dreg:$0x4] =	wrdreg $0x9  }
0xb1: {  	_ =	task.clear_ibuf [dreg:s7], $0x5FFFF;
	_ =	strace $0x90000046  }
0xb2: {  	s29 =	simm.s32 $0x9;
	_ =	strace $0x80000048  }
0xb3: {  	_ =	swait.ge [sflag:s29], $0x1  }
0xb4: {  	[sflag:s29] =	ssyncadd.s32 $0xFFFFFFFF  }
0xb5: {  	_ =	strace $0x90000048  }
0xb6: {  	_ =	sfence  }
0xb7: {  	s30 =	sld [smem:$0x0];
	_ =	sdelay $0x2  }
0xb8: {  	s31 =	sshll.u32 s1, $0xD;
	s1 =	sshrl.u32 s1, $0x2  }
0xb9: {  	s3 =	sand.u32 $0x4000, s31;
	s1 =	sadd.s32 s1, s30  }
0xba: {  	s0 =	sor.u32 s3, s0;
	s1 =	sshll.u32 s1, $0x11  }
0xbb: {  	s0 =	sor.u32 s1, s0  }
0xbc: {  	s0 =	sadd.s32 $0x8F2B, s0  }
0xbd: {  	[sflag:s0] =	ssyncadd.remote.s32 $0x1  }
0xbe: {  	_ =	sfence.sel $0xFFFF  }
0xbf: {  	[dreg:$0x0] =	wrdreg $0xFFFFFFFF;
	(pc) =	sbr.abs _section_cstart, $3  }
0xc0: {  	[dreg:$0x1] =	wrdreg $0xFFFFFFFF  }
0xc1: {  	_ =	task.clear_ibuf [dreg:s7], $0x2FFFF;
	_ =	strace $0x9FFFFFFF  }
0xc2: {  	(tm) =	ssettm $0x7FFFFFFF  }
0xc3: {  	_ =	shalt  }
tec
execute0_lowered:
.L_overlay_start_1:
0x0: {  	(tag) =	ssettag $0x1  }
0x1: {  	s1 =	rddreg [dreg:$0x0]  }
0x2: {  	s0 =	rddreg [dreg:$0x1]  }
0x3: {  	s3 =	simm.s32 $0x0;
	s2 =	srdreg.scid;
	s4 =	stileid.u32  }
0x4: {  	s10 =	simm.s32 $0x3;
	s11 =	simm.s32 $0x64;
	s28 =	simm.s32 $0x340  }
0x5: {  	s31 =	simm.s32 $0x7700;
	s12 =	simm.s32 $0x478;
	s13 =	simm.s32 $0x9000  }
0x6: {  	s14 =	simm.s32 $0x4E0;
	s15 =	simm.s32 $0x9C80;
	s16 =	simm.s32 $0x548  }
0x7: {  	s17 =	simm.s32 $0xA900;
	s18 =	simm.s32 $0x5B0;
	s19 =	simm.s32 $0xB580  }
0x8: {  	s20 =	simm.s32 $0x618;
	s21 =	simm.s32 $0xC200;
	s22 =	simm.s32 $0x1  }
0x9: {  	s23 =	simm.s32 $0xCE80;
	s24 =	simm.s32 $0x2;
	s9 =	simm.s32 $0x0  }
0xa: {  	[smem:$0x7FF] =	sst s3;
	s2 =	sand.u32 $0x1, s2;
	s4 =	sshll.u32 s4, $0x1  }
0xb: {  	_ =	strace $0x80000047;
	s5 =	sor.u32 s2, s4;
	s2 =	ssub.s32 $0x2, s2  }
0xc: {  	s4 =	sadd.s32 $0x600, s0;
	s6 =	sshll.u32 s5, $0xB;
	s8 =	smul.u32 $0xD00, s5  }
0xd: {  	s7 =	sshrl.u32 s2, $0x1;
	s5 =	sshll.u32 s5, $0x9;
	s0 =	sadd.s32 s6, s0  }
0xe: {  	s2 =	ssub.s32 s2, s7;
	s29 =	sadd.s32 s1, s8;
	s7 =	sadd.s32 $0x3E0600, s0  }
0xf: {  	s8 =	sor.u32 $0x20, s5;
	s30 =	smax.u32 s2, $0x1;
	[dreg:$0x3] =	wrdreg s29  }
0x10: {  	s0 =	simm.s32 $0x410;
	s2 =	simm.s32 $0x8380;
	[dreg:$0x4] =	wrdreg s30  }
.LBB2_1:
0x11: {  	[dreg:$0x5] =	wrdreg s9  }
0x12: {  	s6 =	rddreg [dreg:$0x3]  }
0x13: {  	[tilespmem:s3], [sflag:$0x3] =	stream.linear.gather [hbm4b:s6+s3], $0x340, $0x38;
	[tilespmem:$0xD080] =	vst v63  }
0x14: {  	_ =	swait.ge [sflag:s10], $0x340  }
0x15: {  	[sflag:s10] =	ssyncset.done $0x0  }
0x16: {  	s26 =	simm.s32 $0x680;
	[sflag:s10] =	ssyncadd.s32 $0xFFFFFCC0  }
0x17: {  	[tilespmem:s26], [sflag:$0x1] =	stream.indirect.gather [hbm4b:s4+s11], $0x20, s3, s11, $0xb8;
	[tilespmem:$0xD080] =	vst v63  }
0x18: {  	s29 =	simm.s32 $0x68;
	s30 =	simm.s32 $0x1300  }
0x19: {  	[tilespmem:s30], [sflag:$0x1] =	stream.indirect.gather [hbm4b:s4+s11], $0x20, s29, s11, $0xb8;
	[tilespmem:$0xD080] =	vst v63  }
0x1a: {  	s25 =	simm.s32 $0xD0;
	s26 =	simm.s32 $0x1F80  }
0x1b: {  	[tilespmem:s26], [sflag:$0x1] =	stream.indirect.gather [hbm4b:s4+s11], $0x20, s25, s11, $0xb8;
	[tilespmem:$0xD080] =	vst v63  }
0x1c: {  	s29 =	simm.s32 $0x138;
	s30 =	simm.s32 $0x2C00  }
0x1d: {  	[tilespmem:s30], [sflag:$0x1] =	stream.indirect.gather [hbm4b:s4+s11], $0x20, s29, s11, $0xb8;
	[tilespmem:$0xD080] =	vst v63  }
0x1e: {  	s25 =	simm.s32 $0x1A0;
	s26 =	simm.s32 $0x3880  }
0x1f: {  	[tilespmem:s26], [sflag:$0x1] =	stream.indirect.gather [hbm4b:s4+s11], $0x20, s25, s11, $0xb8;
	[tilespmem:$0xD080] =	vst v63  }
0x20: {  	s29 =	simm.s32 $0x208;
	s30 =	simm.s32 $0x4500  }
0x21: {  	[tilespmem:s30], [sflag:$0x1] =	stream.indirect.gather [hbm4b:s4+s11], $0x20, s29, s11, $0xb8;
	[tilespmem:$0xD080] =	vst v63  }
0x22: {  	s25 =	simm.s32 $0x270;
	s26 =	simm.s32 $0x5180  }
0x23: {  	[tilespmem:s26], [sflag:$0x1] =	stream.indirect.gather [hbm4b:s4+s11], $0x20, s25, s11, $0xb8;
	[tilespmem:$0xD080] =	vst v63  }
0x24: {  	s29 =	simm.s32 $0x2D8;
	s30 =	simm.s32 $0x5E00;
	s26 =	simm.s32 $0x0  }
0x25: {  	[tilespmem:s30], [sflag:$0x1] =	stream.indirect.gather [hbm4b:s4+s11], $0x20, s29, s11, $0xb8;
	[tilespmem:$0xD080] =	vst v63  }
.LBB2_2:
0x26: {  	s6 =	sshllo.u32 s26, $0x1  }
0x27: {  	s9 =	sshll.u32 s6, $0x4  }
0x28: {  	s9 =	sadd.s32 s5, s9  }
0x29: {  	s9 =	sshrl.u32 s9, $0x1  }
0x2a: {  	s9 =	smul.u32 $0xD, s9;
	_ =	sdelay $0x1  }
0x2b: {  	s25 =	sadd.s32 s1, s9;
	s9 =	simm.s32 $0x0  }
0x2c: {  	[tilespmem:s28], [sflag:$0x3] =	stream.linear.gather [hbm4b:s25+s9], $0x340, $0x38;
	[tilespmem:$0xD080] =	vst v63  }
0x2d: {  	_ =	swait.ge [sflag:s10], $0x340  }
0x2e: {  	[sflag:s10] =	ssyncset.done $0x0  }
0x2f: {  	s29 =	simm.s32 $0x6A80;
	[sflag:s10] =	ssyncadd.s32 $0xFFFFFCC0  }
0x30: {  	[tilespmem:s29], [sflag:$0x2] =	stream.indirect.gather [hbm4b:s4+s11], $0x20, s28, s11, $0xb8;
	[tilespmem:$0xD080] =	vst v63  }
0x31: {  	s30 =	simm.s32 $0x3A8  }
0x32: {  	[tilespmem:s31], [sflag:$0x2] =	stream.indirect.gather [hbm4b:s4+s11], $0x20, s30, s11, $0xb8;
	[tilespmem:$0xD080] =	vst v63  }
0x33: {  	_ = 	snop  }
0x34: {  	[tilespmem:s2], [sflag:$0x2] =	stream.indirect.gather [hbm4b:s4+s11], $0x20, s0, s11, $0xb8;
	[tilespmem:$0xD080] =	vst v63  }
0x35: {  	_ = 	snop  }
0x36: {  	[tilespmem:s13], [sflag:$0x2] =	stream.indirect.gather [hbm4b:s4+s11], $0x20, s12, s11, $0xb8;
	[tilespmem:$0xD080] =	vst v63  }
0x37: {  	_ = 	snop  }
0x38: {  	[tilespmem:s15], [sflag:$0x2] =	stream.indirect.gather [hbm4b:s4+s11], $0x20, s14, s11, $0xb8;
	[tilespmem:$0xD080] =	vst v63  }
0x39: {  	_ = 	snop  }
0x3a: {  	[tilespmem:s17], [sflag:$0x2] =	stream.indirect.gather [hbm4b:s4+s11], $0x20, s16, s11, $0xb8;
	[tilespmem:$0xD080] =	vst v63  }
0x3b: {  	_ = 	snop  }
0x3c: {  	[tilespmem:s19], [sflag:$0x2] =	stream.indirect.gather [hbm4b:s4+s11], $0x20, s18, s11, $0xb8;
	[tilespmem:$0xD080] =	vst v63  }
0x3d: {  	_ = 	snop  }
0x3e: {  	[tilespmem:s21], [sflag:$0x2] =	stream.indirect.gather [hbm4b:s4+s11], $0x20, s20, s11, $0xb8;
	[tilespmem:$0xD080] =	vst v63  }
0x3f: {  	_ =	swait.ge [sflag:s22], $0xC80  }
0x40: {  	[sflag:s22] =	ssyncset.done $0x0  }
0x41: {  	[sflag:s22] =	ssyncadd.s32 $0xFFFFF380  }
0x42: {  	_ =	swait.ge [sflag:s22], $0xC80  }
0x43: {  	[sflag:s22] =	ssyncset.done $0x0  }
0x44: {  	[sflag:s22] =	ssyncadd.s32 $0xFFFFF380  }
0x45: {  	_ =	swait.ge [sflag:s22], $0xC80  }
0x46: {  	[sflag:s22] =	ssyncset.done $0x0  }
0x47: {  	[sflag:s22] =	ssyncadd.s32 $0xFFFFF380  }
0x48: {  	_ =	swait.ge [sflag:s22], $0xC80  }
0x49: {  	[sflag:s22] =	ssyncset.done $0x0  }
0x4a: {  	[sflag:s22] =	ssyncadd.s32 $0xFFFFF380  }
0x4b: {  	_ =	swait.ge [sflag:s22], $0xC80  }
0x4c: {  	[sflag:s22] =	ssyncset.done $0x0  }
0x4d: {  	[sflag:s22] =	ssyncadd.s32 $0xFFFFF380  }
0x4e: {  	_ =	swait.ge [sflag:s22], $0xC80  }
0x4f: {  	[sflag:s22] =	ssyncset.done $0x0  }
0x50: {  	[sflag:s22] =	ssyncadd.s32 $0xFFFFF380  }
0x51: {  	_ =	swait.ge [sflag:s22], $0xC80  }
0x52: {  	[sflag:s22] =	ssyncset.done $0x0  }
0x53: {  	[sflag:s22] =	ssyncadd.s32 $0xFFFFF380  }
0x54: {  	_ =	swait.ge [sflag:s22], $0xC80  }
0x55: {  	[sflag:s22] =	ssyncset.done $0x0  }
0x56: {  	s25 =	simm.s32 $0x680;
	[sflag:s22] =	ssyncadd.s32 $0xFFFFF380  }
.LBB2_3:
0x57: {  	v2 =	vmov s25;
	_ =	sdelay $0x3  }
0x58: {  	s30 =	simm.s32 $0x0  }
0x59: {  	v1 =	vld.idx.msk [tilespmem:v2+s30+$0x10 ss:$0x1], $0xffff  }
0x5a: {  	v0 =	vimm.f32 $0.0e+00;
	s29 =	simm.s32 $0x80;
	v3 =	vimm.f32 $0.0e+00;
	v4 =	vld.idx.msk [tilespmem:v2+s30+$0x0 ss:$0x1], $0xffff  }
.LBB2_4:
0x5b: {  	p0 =	sne.s32 s29, $0x1880  }
.Ltmp0:
0x5c: {  	_ = 	snop;
	(pc) =	sbr.rel @p0 .LBB2_4-.Ltmp0, $4  }
0x5d: {  	_ = 	snop  }
0x5e: {  	s30 =	sshra.s32 s29, $0x2;
	s29 =	sadd.s32 $0x80, s29  }
0x5f: {  	v0 =	vadd.f32 v1, v0;
	v1 =	vld.idx.msk [tilespmem:v2+s30+$0x10 ss:$0x1], $0xffff  }
0x60: {  	v3 =	vadd.f32 v4, v3;
	v4 =	vld.idx.msk [tilespmem:v2+s30+$0x0 ss:$0x1], $0xffff  }
0x61: {  	s29 =	sshll.u32 s9, $0x5;
	s9 =	sadd.s32 $0x1, s9  }
0x62: {  	p0 =	sne.s32 s9, $0x10  }
.Ltmp1:
0x63: {  	_ = 	snop;
	(pc) =	sbr.rel @p0 .LBB2_3-.Ltmp1, $4  }
0x64: {  	v0 =	vadd.f32 v1, v0  }
0x65: {  	s29 =	sand.u32 $0x3FFFFFE0, s29;
	v2 =	vadd.f32 v4, v3  }
0x66: {  	[tilespmem:s29+$0xCE90] =	vst v0  }
0x67: {  	s25 =	sadd.s32 $0x640, s25;
	[tilespmem:s29+$0xCE80] =	vst v2  }
0x68: {  	s9 =	sshll.u32 s26, $0x7  }
0x69: {  	p0 =	seq.s32 s26, $0xF;
	s9 =	sadd.s32 s9, s7  }
0x6a: {  	[hbm4b:s9+s3] =	stream.linear.scatter [tilespmem:s23], [sflag:$0x3], $0x200, $0x38;
	[tilespmem:$0xD080] =	vst v63  }
0x6b: {  	s9 =	sshll.u32 @!p0 s26, $0x5  }
0x6c: {  	s9 =	sadd.s32 @!p0 s9, s8  }
0x6d: {  	s9 =	sshrl.u32 @!p0 s9, $0x1  }
0x6e: {  	_ =	swait.ge [sflag:s10], $0x200;
	s9 =	smul.u32 @!p0 $0xD, s9  }
0x6f: {  	[sflag:s10] =	ssyncset.done $0x0  }
0x70: {  	s25 =	simm.s32 @!p0 $0x0;
	[sflag:s10] =	ssyncadd.s32 $0xFFFFFE00;
	s9 =	sadd.s32 @!p0 s1, s9  }
0x71: {  	[tilespmem:s25], [sflag:$0x3] =	stream.linear.gather @!p0 [hbm4b:s9+s25], $0x340, $0x38;
	[tilespmem:$0xD080] =	vst v63  }
0x72: {  	s9 =	simm.s32 @!p0 $0x3  }
0x73: {  	_ =	swait.ge @!p0 [sflag:s9], $0x340  }
0x74: {  	[sflag:s9] =	ssyncset.done @!p0 $0x0  }
0x75: {  	s29 =	simm.s32 @!p0 $0x680;
	[sflag:s9] =	ssyncadd.s32 @!p0 $0xFFFFFCC0;
	s9 =	simm.s32 @!p0 $0x64  }
0x76: {  	[tilespmem:s29], [sflag:$0x1] =	stream.indirect.gather @!p0 [hbm4b:s4+s9], $0x20, s25, s9, $0xb8;
	[tilespmem:$0xD080] =	vst v63  }
0x77: {  	s25 =	simm.s32 @!p0 $0x68;
	s29 =	simm.s32 @!p0 $0x1300  }
0x78: {  	[tilespmem:s29], [sflag:$0x1] =	stream.indirect.gather @!p0 [hbm4b:s4+s9], $0x20, s25, s9, $0xb8;
	[tilespmem:$0xD080] =	vst v63  }
0x79: {  	s25 =	simm.s32 @!p0 $0xD0;
	s29 =	simm.s32 @!p0 $0x1F80  }
0x7a: {  	[tilespmem:s29], [sflag:$0x1] =	stream.indirect.gather @!p0 [hbm4b:s4+s9], $0x20, s25, s9, $0xb8;
	[tilespmem:$0xD080] =	vst v63  }
0x7b: {  	s25 =	simm.s32 @!p0 $0x138;
	s29 =	simm.s32 @!p0 $0x2C00  }
0x7c: {  	[tilespmem:s29], [sflag:$0x1] =	stream.indirect.gather @!p0 [hbm4b:s4+s9], $0x20, s25, s9, $0xb8;
	[tilespmem:$0xD080] =	vst v63  }
0x7d: {  	s25 =	simm.s32 @!p0 $0x1A0;
	s29 =	simm.s32 @!p0 $0x3880  }
0x7e: {  	[tilespmem:s29], [sflag:$0x1] =	stream.indirect.gather @!p0 [hbm4b:s4+s9], $0x20, s25, s9, $0xb8;
	[tilespmem:$0xD080] =	vst v63  }
0x7f: {  	s25 =	simm.s32 @!p0 $0x208;
	s29 =	simm.s32 @!p0 $0x4500  }
0x80: {  	[tilespmem:s29], [sflag:$0x1] =	stream.indirect.gather @!p0 [hbm4b:s4+s9], $0x20, s25, s9, $0xb8;
	[tilespmem:$0xD080] =	vst v63  }
0x81: {  	s25 =	simm.s32 @!p0 $0x270;
	s29 =	simm.s32 @!p0 $0x5180  }
0x82: {  	[tilespmem:s29], [sflag:$0x1] =	stream.indirect.gather @!p0 [hbm4b:s4+s9], $0x20, s25, s9, $0xb8;
	[tilespmem:$0xD080] =	vst v63  }
0x83: {  	s25 =	simm.s32 @!p0 $0x2D8;
	s29 =	simm.s32 @!p0 $0x5E00  }
0x84: {  	[tilespmem:s29], [sflag:$0x1] =	stream.indirect.gather @!p0 [hbm4b:s4+s9], $0x20, s25, s9, $0xb8;
	[tilespmem:$0xD080] =	vst v63  }
0x85: {  	_ =	swait.ge [sflag:s24], $0xC80  }
0x86: {  	[sflag:s24] =	ssyncset.done $0x0  }
0x87: {  	[sflag:s24] =	ssyncadd.s32 $0xFFFFF380  }
0x88: {  	_ =	swait.ge [sflag:s24], $0xC80  }
0x89: {  	[sflag:s24] =	ssyncset.done $0x0  }
0x8a: {  	[sflag:s24] =	ssyncadd.s32 $0xFFFFF380  }
0x8b: {  	_ =	swait.ge [sflag:s24], $0xC80  }
0x8c: {  	[sflag:s24] =	ssyncset.done $0x0  }
0x8d: {  	[sflag:s24] =	ssyncadd.s32 $0xFFFFF380  }
0x8e: {  	_ =	swait.ge [sflag:s24], $0xC80  }
0x8f: {  	[sflag:s24] =	ssyncset.done $0x0  }
0x90: {  	[sflag:s24] =	ssyncadd.s32 $0xFFFFF380  }
0x91: {  	_ =	swait.ge [sflag:s24], $0xC80  }
0x92: {  	[sflag:s24] =	ssyncset.done $0x0  }
0x93: {  	[sflag:s24] =	ssyncadd.s32 $0xFFFFF380  }
0x94: {  	_ =	swait.ge [sflag:s24], $0xC80  }
0x95: {  	[sflag:s24] =	ssyncset.done $0x0  }
0x96: {  	[sflag:s24] =	ssyncadd.s32 $0xFFFFF380  }
0x97: {  	_ =	swait.ge [sflag:s24], $0xC80  }
0x98: {  	[sflag:s24] =	ssyncset.done $0x0  }
0x99: {  	[sflag:s24] =	ssyncadd.s32 $0xFFFFF380  }
0x9a: {  	_ =	swait.ge [sflag:s24], $0xC80  }
0x9b: {  	[sflag:s24] =	ssyncset.done $0x0  }
0x9c: {  	s9 =	simm.s32 $0x0;
	s25 =	simm.s32 $0x680;
	[sflag:s24] =	ssyncadd.s32 $0xFFFFF380  }
.LBB2_7:
0x9d: {  	v2 =	vmov s25;
	_ =	sdelay $0x3  }
0x9e: {  	s30 =	simm.s32 $0x0  }
0x9f: {  	v1 =	vld.idx.msk [tilespmem:v2+s30+$0x6410 ss:$0x1], $0xffff  }
0xa0: {  	v0 =	vimm.f32 $0.0e+00;
	s29 =	simm.s32 $0x80;
	v3 =	vimm.f32 $0.0e+00;
	v4 =	vld.idx.msk [tilespmem:v2+s30+$0x6400 ss:$0x1], $0xffff  }
.LBB2_8:
0xa1: {  	p0 =	sne.s32 s29, $0x1880  }
.Ltmp2:
0xa2: {  	_ = 	snop;
	(pc) =	sbr.rel @p0 .LBB2_8-.Ltmp2, $4  }
0xa3: {  	_ = 	snop  }
0xa4: {  	s30 =	sshra.s32 s29, $0x2;
	s29 =	sadd.s32 $0x80, s29  }
0xa5: {  	v0 =	vadd.f32 v1, v0;
	v1 =	vld.idx.msk [tilespmem:v2+s30+$0x6410 ss:$0x1], $0xffff  }
0xa6: {  	v3 =	vadd.f32 v4, v3;
	v4 =	vld.idx.msk [tilespmem:v2+s30+$0x6400 ss:$0x1], $0xffff  }
0xa7: {  	s29 =	sshll.u32 s9, $0x5;
	s9 =	sadd.s32 $0x1, s9  }
0xa8: {  	p0 =	sne.s32 s9, $0x10  }
.Ltmp3:
0xa9: {  	_ = 	snop;
	(pc) =	sbr.rel @p0 .LBB2_7-.Ltmp3, $4  }
0xaa: {  	v0 =	vadd.f32 v1, v0  }
0xab: {  	s29 =	sand.u32 $0x3FFFFFE0, s29;
	v2 =	vadd.f32 v4, v3  }
0xac: {  	[tilespmem:s29+$0xCE90] =	vst v0  }
0xad: {  	s25 =	sadd.s32 $0x640, s25;
	[tilespmem:s29+$0xCE80] =	vst v2  }
0xae: {  	s26 =	sadd.s32 $0x1, s26  }
0xaf: {  	s6 =	sshll.u32 s6, $0x6;
	p0 =	sne.s32 s26, $0x10  }
.Ltmp4:
0xb0: {  	s6 =	sadd.s32 s6, s7;
	(pc) =	sbr.rel @p0 .LBB2_2-.Ltmp4, $4  }
0xb1: {  	[hbm4b:s6+s3] =	stream.linear.scatter [tilespmem:s23], [sflag:$0x3], $0x200, $0x38;
	[tilespmem:$0xD080] =	vst v63  }
0xb2: {  	_ =	swait.ge [sflag:s10], $0x200  }
0xb3: {  	[sflag:s10] =	ssyncset.done $0x0  }
0xb4: {  	[sflag:s10] =	ssyncadd.s32 $0xFFFFFE00  }
0xb5: {  	s9 =	rddreg [dreg:$0x5]  }
0xb6: {  	s6 =	rddreg [dreg:$0x4];
	s9 =	sadd.s32 $0x1, s9  }
0xb7: {  	p0 =	sne.s32 s9, s6  }
.Ltmp5:
0xb8: {  	_ = 	snop;
	(pc) =	sbr.rel @p0 .LBB2_1-.Ltmp5, $1  }
0xb9: {  	_ =	sdelay $0x3  }
0xba: {  	_ =	sfence.sel $0x180000  }
0xbb: {  	[bflag:$0x0] =	sbarrier.arrive $0xFFFF  }
0xbc: {  	_ =	strace $0x90000047  }
0xbd: {  	s0 =	stileid.u32;
	[bflag:$0x2] =	sbarrier.arrive $0xFFFF  }
0xbe: {  	p0 =	sne.s32 s0, $0x0;
	s0 =	rddreg [dreg:$0x2]  }
0xbf: {  	s0 =	sadd.s32 @!p0 $0x100000, s0  }
0xc0: {  	[sflag:s0] =	ssyncadd.tile.s32 @!p0 $0x1;
	_ =	shalt  }
.Lfunc_end2:
_tile_overlayer_lowered:
.L_overlay_start_2:
0xc1: {  	(tag) =	ssettag $0x2  }
0xc2: {  	s0 =	rddreg [dreg:$0x0];
	s2 =	stileid.u32  }
0xc3: {  	s1 =	rddreg [dreg:$0x1];
	p0 =	sne.s32 s2, $0x0  }
0xc4: {  	s3 =	rddreg [dreg:$0x2];
	[bflag:$0x3] =	sbarrier.arrive $0xFFFF;
	s2 =	simm.s32 @!p0 $0x1C03  }
0xc5: {  	[timem:s3], [sflag:s2] =	dma.local @!p0 [hbm:s0], s1  }
0xc6: {  	s0 =	simm.s32 @!p0 $0x3  }
0xc7: {  	_ =	swait.ge @!p0 [sflag:s0], s1  }
0xc8: {  	s1 =	ssub.s32 @!p0 $0x0, s1;
	[sflag:s0] =	ssyncset.done @!p0 $0x0  }
0xc9: {  	[sflag:s0] =	ssyncadd.s32 @!p0 s1  }
0xca: {  	[bflag:$0x3] =	sbarrier.arrive $0xFFFF  }
0xcb: {  	_ =	shalt  }

</sc_bundles>
